<compile_context>
chip_gen: v7x
topology: tpu7x:2x2x1
jax: 0.10.2.dev20260603
libtpu: 0.0.44.dev20260713+nightly
codegen_flags: <defaults>
</compile_context>

<pallas_src>
import functools

import jax
import jax.numpy as jnp
from jax import lax
from jax.experimental import pallas as pl
from jax.experimental.pallas import tpu as pltpu
from jax.experimental.pallas import tpu_sc as plsc

N, E, D, H = 10000, 320000, 128, 256
NC, NS = 2, 16
DC = D // NC
EPT = E // NS
CHUNK = 80
NCHUNK = EPT // CHUNK
NPAD = 10240
RPT = NPAD // NS

NBUF = 5
NT = NCHUNK // NBUF


@functools.cache
def _make_sc_agg():
    mesh = plsc.VectorSubcoreMesh(
        core_axis_name="c", subcore_axis_name="s",
        num_cores=NC, num_subcores=NS)

    @functools.partial(
        pl.kernel,
        out_type=jax.ShapeDtypeStruct((NC, NPAD, DC), jnp.float32),
        mesh=mesh,
        scratch_types=[
            pltpu.VMEM((NCHUNK, CHUNK), jnp.int32),
            pltpu.VMEM((NCHUNK, CHUNK), jnp.int32),
            pltpu.VMEM((NBUF, CHUNK, DC), jnp.float32),
            pltpu.VMEM_SHARED((NPAD, DC), jnp.float32),
            [pltpu.SemaphoreType.DMA] * NBUF,
            [pltpu.SemaphoreType.DMA] * NBUF,
            pltpu.SemaphoreType.DMA,
        ],
        compiler_params=pltpu.CompilerParams(use_tc_tiling_on_sc=False),
    )
    def _sc_agg(x_hbm, edge_hbm, zero_hbm, out_hbm,
                sidx, didx, rows, acc, gsems, ssems, zsem):
        c = lax.axis_index("c")
        s = lax.axis_index("s")
        r0 = s * RPT
        zdesc = pltpu.async_copy(
            zero_hbm, acc.at[pl.ds(r0, RPT)], zsem)
        pltpu.sync_copy(edge_hbm.at[0, s], sidx)
        pltpu.sync_copy(edge_hbm.at[1, s], didx)
        zdesc.wait()
        plsc.subcore_barrier()

        def gather(g, b):
            for k in range(CHUNK // 16):
                v = sidx[g, pl.ds(k * 16, 16)]
                sidx[g, pl.ds(k * 16, 16)] = v * 2 + c
            return pltpu.async_copy(x_hbm.at[sidx.at[g]], rows.at[b], gsems[b])

        def scatter(g, b):
            return pltpu.async_copy(
                rows.at[b], acc.at[didx.at[g]], ssems[b], add=True)

        for b in range(NBUF):
            gather(b, b)

        def outer(t, carry):
            for b in range(NBUF):
                g = t * NBUF + b
                pltpu.make_async_copy(
                    x_hbm.at[sidx.at[g]], rows.at[b], gsems[b]).wait()
                scatter(g, b)
            for b in range(NBUF):
                g = t * NBUF + b
                pltpu.make_async_copy(
                    rows.at[b], acc.at[didx.at[g]], ssems[b]).wait()
                gather(g + NBUF, b)
            return carry

        lax.fori_loop(0, NT - 1, outer, 0)
        for b in range(NBUF):
            g = (NT - 1) * NBUF + b
            pltpu.make_async_copy(
                x_hbm.at[sidx.at[g]], rows.at[b], gsems[b]).wait()
            scatter(g, b)
        for b in range(NBUF):
            g = (NT - 1) * NBUF + b
            pltpu.make_async_copy(
                rows.at[b], acc.at[didx.at[g]], ssems[b]).wait()
        plsc.subcore_barrier()
        pltpu.sync_copy(acc.at[pl.ds(r0, RPT)], out_hbm.at[c, pl.ds(r0, RPT)])

    return _sc_agg


BN = 5000


def _mlp_body(eps_ref, x_ref, agg_ref, w1_ref, b1_ref, gamma_ref, beta_ref,
              w2_ref, b2_ref, out_ref, h_scr, stats_scr):
    p = pl.program_id(0)
    i = pl.program_id(1)

    @pl.when(p == 0)
    def _():
        scale = 1.0 + eps_ref[0, 0]
        lo = scale * x_ref[:, :DC] + agg_ref[0]
        hi = scale * x_ref[:, DC:] + agg_ref[1]
        h1 = jnp.dot(lo, w1_ref[:DC], preferred_element_type=jnp.float32)
        h1 = h1 + jnp.dot(hi, w1_ref[DC:], preferred_element_type=jnp.float32)
        h1 = h1 + b1_ref[...]
        h_scr[pl.ds(i * BN, BN), :] = h1

        @pl.when(i == 0)
        def _():
            stats_scr[...] = jnp.zeros_like(stats_scr)

        stats_scr[0:1] += jnp.sum(h1, axis=0, keepdims=True)
        stats_scr[1:2] += jnp.sum(h1 * h1, axis=0, keepdims=True)

    @pl.when(p == 1)
    def _():
        mu = stats_scr[0:1] / N
        var = stats_scr[1:2] / N - mu * mu
        a = gamma_ref[...] * lax.rsqrt(var + 1e-5)
        cshift = beta_ref[...] - mu * a
        nrm = h_scr[pl.ds(i * BN, BN), :] * a + cshift
        act = jnp.where(nrm > 0, nrm, jnp.exp(jnp.minimum(nrm, 0.0)) - 1.0)
        out = jnp.dot(act, w2_ref[...], preferred_element_type=jnp.float32)
        out_ref[...] = out + b2_ref[...]


def kernel(x, edge_index, W1, b1, gamma, beta, W2, b2, eps):
    xv = jnp.reshape(x, (NC * N, DC))
    edge2 = jnp.reshape(edge_index, (2, NS, NCHUNK, CHUNK))
    zeros = jnp.zeros((RPT, DC), jnp.float32)
    agg2 = _make_sc_agg()(xv, edge2, zeros)

    eps2 = jnp.reshape(eps, (1, 1))
    grid = N // BN
    out = pl.pallas_call(
        _mlp_body,
        grid=(2, grid),
        in_specs=[
            pl.BlockSpec(memory_space=pltpu.SMEM),
            pl.BlockSpec((BN, D), lambda p, i: (i * (1 - p), 0)),
            pl.BlockSpec((NC, BN, DC), lambda p, i: (0, i * (1 - p), 0)),
            pl.BlockSpec((D, H), lambda p, i: (0, 0)),
            pl.BlockSpec((1, H), lambda p, i: (0, 0)),
            pl.BlockSpec((1, H), lambda p, i: (0, 0)),
            pl.BlockSpec((1, H), lambda p, i: (0, 0)),
            pl.BlockSpec((H, D), lambda p, i: (0, 0)),
            pl.BlockSpec((1, D), lambda p, i: (0, 0)),
        ],
        out_specs=pl.BlockSpec((BN, D), lambda p, i: (i * p, 0)),
        out_shape=jax.ShapeDtypeStruct((N, D), jnp.float32),
        scratch_shapes=[
            pltpu.VMEM((N, H), jnp.float32),
            pltpu.VMEM((2, H), jnp.float32),
        ],
    )(eps2, x, agg2, W1, jnp.reshape(b1, (1, H)),
      jnp.reshape(gamma, (1, H)), jnp.reshape(beta, (1, H)),
      W2, jnp.reshape(b2, (1, D)))
    return out

# --- scband reference (transcript-rebuilt; emitter-appended) ---
"""Pipeline reference for scband-gin-86225763435201 (READ-ONLY COPY).

The authoritative reference and input builder live on the scoring server;
editing this copy changes nothing except your own understanding.
"""

import jax, jax.numpy as jnp
import numpy as np

N, E, D, H = 10000, 320000, 128, 256

def setup_inputs(seed: int = 0):
    key = jax.random.key(seed)
    ks = jax.random.split(key, 6)
    x = jax.random.normal(ks[0], (N, D), dtype=jnp.float32)
    edge_index = jax.random.randint(ks[1], (2, E), 0, N, dtype=jnp.int32)
    W1 = jax.random.normal(ks[2], (D, H), dtype=jnp.float32) * (1.0 / np.sqrt(D))
    b1 = jnp.zeros((H,), dtype=jnp.float32)
    gamma = jnp.ones((H,), dtype=jnp.float32)
    beta = jnp.zeros((H,), dtype=jnp.float32)
    W2 = jax.random.normal(ks[3], (H, D), dtype=jnp.float32) * (1.0 / np.sqrt(H))
    b2 = jnp.zeros((D,), dtype=jnp.float32)
    eps = jnp.asarray(0.1, dtype=jnp.float32)
    return {"x": x, "edge_index": edge_index, "W1": W1, "b1": b1, "gamma": gamma, "beta": beta, "W2": W2, "b2": b2, "eps": eps}

def reference(x, edge_index, W1, b1, gamma, beta, W2, b2, eps):
    # GINConv: out = MLP((1 + eps) * x + sum_{j in N(i)} x_j)
    src = edge_index[0]
    dst = edge_index[1]
    msgs = jnp.take(x, src, axis=0)                      # gather (SparseCore)
    agg = jnp.zeros_like(x).at[dst].add(msgs)            # scatter-add (SparseCore)
    h = (1.0 + eps) * x + agg
    # MLP layer 1: Linear -> BatchNorm (batch stats) -> ELU (dropout disabled in eval)
    h = h @ W1 + b1
    mu = jnp.mean(h, axis=0)
    var = jnp.var(h, axis=0)
    h = (h - mu) / jnp.sqrt(var + 1e-5) * gamma + beta
    h = jax.nn.elu(h, alpha=1.0)
    # MLP layer 2 (plain last: no norm/act/dropout)
    out = h @ W2 + b2
    return out

if __name__ == "__main__":
    import jax
    _d = setup_inputs()
    print(jax.jit(kernel)(*tuple(_d.values())))

</pallas_src>

<mosaic_0001>
#map = affine_map<(d0, d1) -> (0, 0)>
#map1 = affine_map<(d0, d1) -> (0, 0, 0, 0)>
#map2 = affine_map<(d0, d1) -> (0, 0, 0)>
module attributes {stable_mosaic.version = 14 : i64} {
  func.func @_sc_agg(%arg0: i32, %arg1: i32, %arg2: memref<20000x64xf32, #tpu.memory_space<hbm>>, %arg3: memref<2x16x250x80xi32, #tpu.memory_space<hbm>>, %arg4: memref<640x64xf32, #tpu.memory_space<hbm>>, %arg5: memref<2x10240x64xf32, #tpu.memory_space<hbm>>, %arg6: memref<250x80xi32, #tpu.memory_space<vmem>>, %arg7: memref<250x80xi32, #tpu.memory_space<vmem>>, %arg8: memref<5x80x64xf32, #tpu.memory_space<vmem>>, %arg9: memref<10240x64xf32, #tpu.memory_space<vmem_shared>>, %arg10: memref<!tpu.dma_semaphore, #tpu.memory_space<semaphore_mem>>, %arg11: memref<!tpu.dma_semaphore, #tpu.memory_space<semaphore_mem>>, %arg12: memref<!tpu.dma_semaphore, #tpu.memory_space<semaphore_mem>>, %arg13: memref<!tpu.dma_semaphore, #tpu.memory_space<semaphore_mem>>, %arg14: memref<!tpu.dma_semaphore, #tpu.memory_space<semaphore_mem>>, %arg15: memref<!tpu.dma_semaphore, #tpu.memory_space<semaphore_mem>>, %arg16: memref<!tpu.dma_semaphore, #tpu.memory_space<semaphore_mem>>, %arg17: memref<!tpu.dma_semaphore, #tpu.memory_space<semaphore_mem>>, %arg18: memref<!tpu.dma_semaphore, #tpu.memory_space<semaphore_mem>>, %arg19: memref<!tpu.dma_semaphore, #tpu.memory_space<semaphore_mem>>, %arg20: memref<!tpu.dma_semaphore, #tpu.memory_space<semaphore_mem>>) attributes {dimension_semantics = [#tpu.dimension_semantics<core_parallel>, #tpu.dimension_semantics<subcore_parallel>], iteration_bounds = array<i64: 2, 16>, scalar_prefetch = 0 : i64, scratch_operands = 15 : i64, tpu.core_type = #tpu.core_type<sc_vector_subcore>, window_params = [{transform_indices = #map}, {transform_indices = #map1}, {transform_indices = #map}, {transform_indices = #map2}]} {
    %mul3A = arith.constant 640 : i32
    %mul3A_0 = arith.muli %arg1, %mul3A : i32
    %dma_start3A = arith.constant 0 : i32
    %dma_start3A_1 = tpu.memref_slice %arg9[%mul3A_0, %dma_start3A] : memref<10240x64xf32, #tpu.memory_space<vmem_shared>> -> memref<640x64xf32, #tpu.memory_space<vmem_shared>>
    tpu.enqueue_dma source(%arg4 : memref<640x64xf32, #tpu.memory_space<hbm>>) target(%dma_start3A_1 : memref<640x64xf32, #tpu.memory_space<vmem_shared>>) target_semaphore(%arg20 : memref<!tpu.dma_semaphore, #tpu.memory_space<semaphore_mem>>)
    %run_scoped3A = arith.constant 0 : i32
    "tpu.region"() ({
      %run_scoped3A_647 = tpu.sem_alloc : memref<!tpu.dma_semaphore, #tpu.memory_space<semaphore_mem>>
      %dma_start3A_648 = arith.constant 0 : i32
      %dma_start3A_649 = arith.constant 0 : i32
      %dma_start3A_650 = tpu.memref_slice %arg3[%run_scoped3A, %arg1, %dma_start3A_648, %dma_start3A_649] : memref<2x16x250x80xi32, #tpu.memory_space<hbm>> -> memref<1x1x250x80xi32, #tpu.memory_space<hbm>>
      %dma_start3A_651 = tpu.memref_squeeze %dma_start3A_650 : memref<1x1x250x80xi32, #tpu.memory_space<hbm>> -> memref<250x80xi32, #tpu.memory_space<hbm>>
      %dma_start3A_652 = arith.constant 0 : i32
      %dma_start3A_653 = arith.constant 0 : i32
      %dma_start3A_654 = tpu.memref_slice %arg3[%run_scoped3A, %arg1, %dma_start3A_652, %dma_start3A_653] : memref<2x16x250x80xi32, #tpu.memory_space<hbm>> -> memref<1x1x250x80xi32, #tpu.memory_space<hbm>>
      %dma_start3A_655 = tpu.memref_squeeze %dma_start3A_654 : memref<1x1x250x80xi32, #tpu.memory_space<hbm>> -> memref<250x80xi32, #tpu.memory_space<hbm>>
      tpu.enqueue_dma source(%dma_start3A_655 : memref<250x80xi32, #tpu.memory_space<hbm>>) target(%arg6 : memref<250x80xi32, #tpu.memory_space<vmem>>) target_semaphore(%run_scoped3A_647 : memref<!tpu.dma_semaphore, #tpu.memory_space<semaphore_mem>>)
      %dma_wait3A_656 = arith.constant 0 : i32
      %dma_wait3A_657 = arith.constant 0 : i32
      %dma_wait3A_658 = tpu.memref_slice %arg3[%run_scoped3A, %arg1, %dma_wait3A_656, %dma_wait3A_657] : memref<2x16x250x80xi32, #tpu.memory_space<hbm>> -> memref<1x1x250x80xi32, #tpu.memory_space<hbm>>
      %dma_wait3A_659 = tpu.memref_squeeze %dma_wait3A_658 : memref<1x1x250x80xi32, #tpu.memory_space<hbm>> -> memref<250x80xi32, #tpu.memory_space<hbm>>
      %dma_wait3A_660 = arith.constant 0 : i32
      %dma_wait3A_661 = arith.constant 0 : i32
      %dma_wait3A_662 = tpu.memref_slice %arg3[%run_scoped3A, %arg1, %dma_wait3A_660, %dma_wait3A_661] : memref<2x16x250x80xi32, #tpu.memory_space<hbm>> -> memref<1x1x250x80xi32, #tpu.memory_space<hbm>>
      %dma_wait3A_663 = tpu.memref_squeeze %dma_wait3A_662 : memref<1x1x250x80xi32, #tpu.memory_space<hbm>> -> memref<250x80xi32, #tpu.memory_space<hbm>>
      tpu.wait_dma2 semaphore(%run_scoped3A_647 : memref<!tpu.dma_semaphore, #tpu.memory_space<semaphore_mem>>) src(%dma_wait3A_663 : memref<250x80xi32, #tpu.memory_space<hbm>>) dst(%arg6 : memref<250x80xi32, #tpu.memory_space<vmem>>)
      tpu.yield
    }) : () -> ()
    %run_scoped3A_2 = arith.constant 1 : i32
    "tpu.region"() ({
      %run_scoped3A_647 = tpu.sem_alloc : memref<!tpu.dma_semaphore, #tpu.memory_space<semaphore_mem>>
      %dma_start3A_648 = arith.constant 0 : i32
      %dma_start3A_649 = arith.constant 0 : i32
      %dma_start3A_650 = tpu.memref_slice %arg3[%run_scoped3A_2, %arg1, %dma_start3A_648, %dma_start3A_649] : memref<2x16x250x80xi32, #tpu.memory_space<hbm>> -> memref<1x1x250x80xi32, #tpu.memory_space<hbm>>
      %dma_start3A_651 = tpu.memref_squeeze %dma_start3A_650 : memref<1x1x250x80xi32, #tpu.memory_space<hbm>> -> memref<250x80xi32, #tpu.memory_space<hbm>>
      %dma_start3A_652 = arith.constant 0 : i32
      %dma_start3A_653 = arith.constant 0 : i32
      %dma_start3A_654 = tpu.memref_slice %arg3[%run_scoped3A_2, %arg1, %dma_start3A_652, %dma_start3A_653] : memref<2x16x250x80xi32, #tpu.memory_space<hbm>> -> memref<1x1x250x80xi32, #tpu.memory_space<hbm>>
      %dma_start3A_655 = tpu.memref_squeeze %dma_start3A_654 : memref<1x1x250x80xi32, #tpu.memory_space<hbm>> -> memref<250x80xi32, #tpu.memory_space<hbm>>
      tpu.enqueue_dma source(%dma_start3A_655 : memref<250x80xi32, #tpu.memory_space<hbm>>) target(%arg7 : memref<250x80xi32, #tpu.memory_space<vmem>>) target_semaphore(%run_scoped3A_647 : memref<!tpu.dma_semaphore, #tpu.memory_space<semaphore_mem>>)
      %dma_wait3A_656 = arith.constant 0 : i32
      %dma_wait3A_657 = arith.constant 0 : i32
      %dma_wait3A_658 = tpu.memref_slice %arg3[%run_scoped3A_2, %arg1, %dma_wait3A_656, %dma_wait3A_657] : memref<2x16x250x80xi32, #tpu.memory_space<hbm>> -> memref<1x1x250x80xi32, #tpu.memory_space<hbm>>
      %dma_wait3A_659 = tpu.memref_squeeze %dma_wait3A_658 : memref<1x1x250x80xi32, #tpu.memory_space<hbm>> -> memref<250x80xi32, #tpu.memory_space<hbm>>
      %dma_wait3A_660 = arith.constant 0 : i32
      %dma_wait3A_661 = arith.constant 0 : i32
      %dma_wait3A_662 = tpu.memref_slice %arg3[%run_scoped3A_2, %arg1, %dma_wait3A_660, %dma_wait3A_661] : memref<2x16x250x80xi32, #tpu.memory_space<hbm>> -> memref<1x1x250x80xi32, #tpu.memory_space<hbm>>
      %dma_wait3A_663 = tpu.memref_squeeze %dma_wait3A_662 : memref<1x1x250x80xi32, #tpu.memory_space<hbm>> -> memref<250x80xi32, #tpu.memory_space<hbm>>
      tpu.wait_dma2 semaphore(%run_scoped3A_647 : memref<!tpu.dma_semaphore, #tpu.memory_space<semaphore_mem>>) src(%dma_wait3A_663 : memref<250x80xi32, #tpu.memory_space<hbm>>) dst(%arg7 : memref<250x80xi32, #tpu.memory_space<vmem>>)
      tpu.yield
    }) : () -> ()
    %dma_wait3A = arith.constant 0 : i32
    %dma_wait3A_3 = tpu.memref_slice %arg9[%mul3A_0, %dma_wait3A] : memref<10240x64xf32, #tpu.memory_space<vmem_shared>> -> memref<640x64xf32, #tpu.memory_space<vmem_shared>>
    tpu.wait_dma2 semaphore(%arg20 : memref<!tpu.dma_semaphore, #tpu.memory_space<semaphore_mem>>) src(%arg4 : memref<640x64xf32, #tpu.memory_space<hbm>>) dst(%dma_wait3A_3 : memref<640x64xf32, #tpu.memory_space<vmem_shared>>)
    %barrier3A = arith.constant 0 : index
    tpu.barrier barrier_id(%barrier3A)
    %get3A = arith.constant 0 : i32
    %get3A_4 = arith.index_cast %get3A : i32 to index
    %get3A_5 = arith.constant 0 : index
    %get3A_6 = tpu.vector_load %arg6[%get3A_4, %get3A_5] {strides = array<i32>} : memref<250x80xi32, #tpu.memory_space<vmem>>, vector<1x16xi32>,
    %get3A_7 = vector.shape_cast %get3A_6 : vector<1x16xi32> to vector<16xi32>
    %mul3A_8 = arith.constant 2 : i32
    %mul3A_9 = vector.broadcast %mul3A_8 : i32 to vector<16xi32>
    %mul3A_10 = arith.muli %get3A_7, %mul3A_9 : vector<16xi32>
    %add3A = vector.broadcast %arg0 : i32 to vector<16xi32>
    %add3A_11 = arith.addi %mul3A_10, %add3A : vector<16xi32>
    %swap3A = arith.constant 0 : i32
    %swap3A_12 = arith.index_cast %swap3A : i32 to index
    %swap3A_13 = arith.constant 0 : index
    %swap3A_14 = tpu.vector_load %arg6[%swap3A_12, %swap3A_13] {strides = array<i32>} : memref<250x80xi32, #tpu.memory_space<vmem>>, vector<1x16xi32>,
    %swap3A_15 = vector.shape_cast %swap3A_14 : vector<1x16xi32> to vector<16xi32>
    %swap3A_16 = vector.shape_cast %add3A_11 : vector<16xi32> to vector<1x16xi32>
    tpu.vector_store %arg6[%swap3A_12, %swap3A_13], %swap3A_16 {strides = array<i32>} : memref<250x80xi32, #tpu.memory_space<vmem>>, vector<1x16xi32>,
    %get3A_17 = arith.constant 0 : i32
    %get3A_18 = arith.index_cast %get3A_17 : i32 to index
    %get3A_19 = arith.constant 16 : index
    %get3A_20 = tpu.vector_load %arg6[%get3A_18, %get3A_19] {strides = array<i32>} : memref<250x80xi32, #tpu.memory_space<vmem>>, vector<1x16xi32>,
    %get3A_21 = vector.shape_cast %get3A_20 : vector<1x16xi32> to vector<16xi32>
    %mul3A_22 = arith.constant 2 : i32
    %mul3A_23 = vector.broadcast %mul3A_22 : i32 to vector<16xi32>
    %mul3A_24 = arith.muli %get3A_21, %mul3A_23 : vector<16xi32>
    %add3A_25 = vector.broadcast %arg0 : i32 to vector<16xi32>
    %add3A_26 = arith.addi %mul3A_24, %add3A_25 : vector<16xi32>
    %swap3A_27 = arith.constant 0 : i32
    %swap3A_28 = arith.index_cast %swap3A_27 : i32 to index
    %swap3A_29 = arith.constant 16 : index
    %swap3A_30 = tpu.vector_load %arg6[%swap3A_28, %swap3A_29] {strides = array<i32>} : memref<250x80xi32, #tpu.memory_space<vmem>>, vector<1x16xi32>,
    %swap3A_31 = vector.shape_cast %swap3A_30 : vector<1x16xi32> to vector<16xi32>
    %swap3A_32 = vector.shape_cast %add3A_26 : vector<16xi32> to vector<1x16xi32>
    tpu.vector_store %arg6[%swap3A_28, %swap3A_29], %swap3A_32 {strides = array<i32>} : memref<250x80xi32, #tpu.memory_space<vmem>>, vector<1x16xi32>,
    %get3A_33 = arith.constant 0 : i32
    %get3A_34 = arith.index_cast %get3A_33 : i32 to index
    %get3A_35 = arith.constant 32 : index
    %get3A_36 = tpu.vector_load %arg6[%get3A_34, %get3A_35] {strides = array<i32>} : memref<250x80xi32, #tpu.memory_space<vmem>>, vector<1x16xi32>,
    %get3A_37 = vector.shape_cast %get3A_36 : vector<1x16xi32> to vector<16xi32>
    %mul3A_38 = arith.constant 2 : i32
    %mul3A_39 = vector.broadcast %mul3A_38 : i32 to vector<16xi32>
    %mul3A_40 = arith.muli %get3A_37, %mul3A_39 : vector<16xi32>
    %add3A_41 = vector.broadcast %arg0 : i32 to vector<16xi32>
    %add3A_42 = arith.addi %mul3A_40, %add3A_41 : vector<16xi32>
    %swap3A_43 = arith.constant 0 : i32
    %swap3A_44 = arith.index_cast %swap3A_43 : i32 to index
    %swap3A_45 = arith.constant 32 : index
    %swap3A_46 = tpu.vector_load %arg6[%swap3A_44, %swap3A_45] {strides = array<i32>} : memref<250x80xi32, #tpu.memory_space<vmem>>, vector<1x16xi32>,
    %swap3A_47 = vector.shape_cast %swap3A_46 : vector<1x16xi32> to vector<16xi32>
    %swap3A_48 = vector.shape_cast %add3A_42 : vector<16xi32> to vector<1x16xi32>
    tpu.vector_store %arg6[%swap3A_44, %swap3A_45], %swap3A_48 {strides = array<i32>} : memref<250x80xi32, #tpu.memory_space<vmem>>, vector<1x16xi32>,
    %get3A_49 = arith.constant 0 : i32
    %get3A_50 = arith.index_cast %get3A_49 : i32 to index
    %get3A_51 = arith.constant 48 : index
    %get3A_52 = tpu.vector_load %arg6[%get3A_50, %get3A_51] {strides = array<i32>} : memref<250x80xi32, #tpu.memory_space<vmem>>, vector<1x16xi32>,
    %get3A_53 = vector.shape_cast %get3A_52 : vector<1x16xi32> to vector<16xi32>
    %mul3A_54 = arith.constant 2 : i32
    %mul3A_55 = vector.broadcast %mul3A_54 : i32 to vector<16xi32>
    %mul3A_56 = arith.muli %get3A_53, %mul3A_55 : vector<16xi32>
    %add3A_57 = vector.broadcast %arg0 : i32 to vector<16xi32>
    %add3A_58 = arith.addi %mul3A_56, %add3A_57 : vector<16xi32>
    %swap3A_59 = arith.constant 0 : i32
    %swap3A_60 = arith.index_cast %swap3A_59 : i32 to index
    %swap3A_61 = arith.constant 48 : index
    %swap3A_62 = tpu.vector_load %arg6[%swap3A_60, %swap3A_61] {strides = array<i32>} : memref<250x80xi32, #tpu.memory_space<vmem>>, vector<1x16xi32>,
    %swap3A_63 = vector.shape_cast %swap3A_62 : vector<1x16xi32> to vector<16xi32>
    %swap3A_64 = vector.shape_cast %add3A_58 : vector<16xi32> to vector<1x16xi32>
    tpu.vector_store %arg6[%swap3A_60, %swap3A_61], %swap3A_64 {strides = array<i32>} : memref<250x80xi32, #tpu.memory_space<vmem>>, vector<1x16xi32>,
    %get3A_65 = arith.constant 0 : i32
    %get3A_66 = arith.index_cast %get3A_65 : i32 to index
    %get3A_67 = arith.constant 64 : index
    %get3A_68 = tpu.vector_load %arg6[%get3A_66, %get3A_67] {strides = array<i32>} : memref<250x80xi32, #tpu.memory_space<vmem>>, vector<1x16xi32>,
    %get3A_69 = vector.shape_cast %get3A_68 : vector<1x16xi32> to vector<16xi32>
    %mul3A_70 = arith.constant 2 : i32
    %mul3A_71 = vector.broadcast %mul3A_70 : i32 to vector<16xi32>
    %mul3A_72 = arith.muli %get3A_69, %mul3A_71 : vector<16xi32>
    %add3A_73 = vector.broadcast %arg0 : i32 to vector<16xi32>
    %add3A_74 = arith.addi %mul3A_72, %add3A_73 : vector<16xi32>
    %swap3A_75 = arith.constant 0 : i32
    %swap3A_76 = arith.index_cast %swap3A_75 : i32 to index
    %swap3A_77 = arith.constant 64 : index
    %swap3A_78 = tpu.vector_load %arg6[%swap3A_76, %swap3A_77] {strides = array<i32>} : memref<250x80xi32, #tpu.memory_space<vmem>>, vector<1x16xi32>,
    %swap3A_79 = vector.shape_cast %swap3A_78 : vector<1x16xi32> to vector<16xi32>
    %swap3A_80 = vector.shape_cast %add3A_74 : vector<16xi32> to vector<1x16xi32>
    tpu.vector_store %arg6[%swap3A_76, %swap3A_77], %swap3A_80 {strides = array<i32>} : memref<250x80xi32, #tpu.memory_space<vmem>>, vector<1x16xi32>,
    %dma_start3A_81 = arith.constant 0 : i32
    %dma_start3A_82 = arith.constant 0 : i32
    %dma_start3A_83 = arith.constant 0 : i32
    %dma_start3A_84 = arith.constant 0 : i32
    %dma_start3A_85 = tpu.memref_slice %arg8[%dma_start3A_82, %dma_start3A_83, %dma_start3A_84] : memref<5x80x64xf32, #tpu.memory_space<vmem>> -> memref<1x80x64xf32, #tpu.memory_space<vmem>>
    %dma_start3A_86 = tpu.memref_squeeze %dma_start3A_85 : memref<1x80x64xf32, #tpu.memory_space<vmem>> -> memref<80x64xf32, #tpu.memory_space<vmem>>
    %dma_start3A_87 = arith.constant 0 : i32
    %dma_start3A_88 = tpu.memref_slice %arg6[%dma_start3A_81, %dma_start3A_87] : memref<250x80xi32, #tpu.memory_space<vmem>> -> memref<1x80xi32, #tpu.memory_space<vmem>>
    %dma_start3A_89 = tpu.memref_squeeze %dma_start3A_88 : memref<1x80xi32, #tpu.memory_space<vmem>> -> memref<80xi32, #tpu.memory_space<vmem>>
    %dma_start3A_90 = arith.constant 0 : i32
    %dma_start3A_91 = arith.constant 0 : i32
    %dma_start3A_92 = tpu.memref_slice %arg2[%dma_start3A_90, %dma_start3A_91] : memref<20000x64xf32, #tpu.memory_space<hbm>> -> memref<20000x64xf32, #tpu.memory_space<hbm>>
    tpu.enqueue_indirect_dma source(%dma_start3A_92 : memref<20000x64xf32, #tpu.memory_space<hbm>>) target(%dma_start3A_86 : memref<80x64xf32, #tpu.memory_space<vmem>>) offsets(%dma_start3A_89 : memref<80xi32, #tpu.memory_space<vmem>>) semaphore(%arg10 : memref<!tpu.dma_semaphore, #tpu.memory_space<semaphore_mem>>)
    %get3A_93 = arith.constant 1 : i32
    %get3A_94 = arith.index_cast %get3A_93 : i32 to index
    %get3A_95 = arith.constant 0 : index
    %get3A_96 = tpu.vector_load %arg6[%get3A_94, %get3A_95] {strides = array<i32>} : memref<250x80xi32, #tpu.memory_space<vmem>>, vector<1x16xi32>,
    %get3A_97 = vector.shape_cast %get3A_96 : vector<1x16xi32> to vector<16xi32>
    %mul3A_98 = arith.constant 2 : i32
    %mul3A_99 = vector.broadcast %mul3A_98 : i32 to vector<16xi32>
    %mul3A_100 = arith.muli %get3A_97, %mul3A_99 : vector<16xi32>
    %add3A_101 = vector.broadcast %arg0 : i32 to vector<16xi32>
    %add3A_102 = arith.addi %mul3A_100, %add3A_101 : vector<16xi32>
    %swap3A_103 = arith.constant 1 : i32
    %swap3A_104 = arith.index_cast %swap3A_103 : i32 to index
    %swap3A_105 = arith.constant 0 : index
    %swap3A_106 = tpu.vector_load %arg6[%swap3A_104, %swap3A_105] {strides = array<i32>} : memref<250x80xi32, #tpu.memory_space<vmem>>, vector<1x16xi32>,
    %swap3A_107 = vector.shape_cast %swap3A_106 : vector<1x16xi32> to vector<16xi32>
    %swap3A_108 = vector.shape_cast %add3A_102 : vector<16xi32> to vector<1x16xi32>
    tpu.vector_store %arg6[%swap3A_104, %swap3A_105], %swap3A_108 {strides = array<i32>} : memref<250x80xi32, #tpu.memory_space<vmem>>, vector<1x16xi32>,
    %get3A_109 = arith.constant 1 : i32
    %get3A_110 = arith.index_cast %get3A_109 : i32 to index
    %get3A_111 = arith.constant 16 : index
    %get3A_112 = tpu.vector_load %arg6[%get3A_110, %get3A_111] {strides = array<i32>} : memref<250x80xi32, #tpu.memory_space<vmem>>, vector<1x16xi32>,
    %get3A_113 = vector.shape_cast %get3A_112 : vector<1x16xi32> to vector<16xi32>
    %mul3A_114 = arith.constant 2 : i32
    %mul3A_115 = vector.broadcast %mul3A_114 : i32 to vector<16xi32>
    %mul3A_116 = arith.muli %get3A_113, %mul3A_115 : vector<16xi32>
    %add3A_117 = vector.broadcast %arg0 : i32 to vector<16xi32>
    %add3A_118 = arith.addi %mul3A_116, %add3A_117 : vector<16xi32>
    %swap3A_119 = arith.constant 1 : i32
    %swap3A_120 = arith.index_cast %swap3A_119 : i32 to index
    %swap3A_121 = arith.constant 16 : index
    %swap3A_122 = tpu.vector_load %arg6[%swap3A_120, %swap3A_121] {strides = array<i32>} : memref<250x80xi32, #tpu.memory_space<vmem>>, vector<1x16xi32>,
    %swap3A_123 = vector.shape_cast %swap3A_122 : vector<1x16xi32> to vector<16xi32>
    %swap3A_124 = vector.shape_cast %add3A_118 : vector<16xi32> to vector<1x16xi32>
    tpu.vector_store %arg6[%swap3A_120, %swap3A_121], %swap3A_124 {strides = array<i32>} : memref<250x80xi32, #tpu.memory_space<vmem>>, vector<1x16xi32>,
    %get3A_125 = arith.constant 1 : i32
    %get3A_126 = arith.index_cast %get3A_125 : i32 to index
    %get3A_127 = arith.constant 32 : index
    %get3A_128 = tpu.vector_load %arg6[%get3A_126, %get3A_127] {strides = array<i32>} : memref<250x80xi32, #tpu.memory_space<vmem>>, vector<1x16xi32>,
    %get3A_129 = vector.shape_cast %get3A_128 : vector<1x16xi32> to vector<16xi32>
    %mul3A_130 = arith.constant 2 : i32
    %mul3A_131 = vector.broadcast %mul3A_130 : i32 to vector<16xi32>
    %mul3A_132 = arith.muli %get3A_129, %mul3A_131 : vector<16xi32>
    %add3A_133 = vector.broadcast %arg0 : i32 to vector<16xi32>
    %add3A_134 = arith.addi %mul3A_132, %add3A_133 : vector<16xi32>
    %swap3A_135 = arith.constant 1 : i32
    %swap3A_136 = arith.index_cast %swap3A_135 : i32 to index
    %swap3A_137 = arith.constant 32 : index
    %swap3A_138 = tpu.vector_load %arg6[%swap3A_136, %swap3A_137] {strides = array<i32>} : memref<250x80xi32, #tpu.memory_space<vmem>>, vector<1x16xi32>,
    %swap3A_139 = vector.shape_cast %swap3A_138 : vector<1x16xi32> to vector<16xi32>
    %swap3A_140 = vector.shape_cast %add3A_134 : vector<16xi32> to vector<1x16xi32>
    tpu.vector_store %arg6[%swap3A_136, %swap3A_137], %swap3A_140 {strides = array<i32>} : memref<250x80xi32, #tpu.memory_space<vmem>>, vector<1x16xi32>,
    %get3A_141 = arith.constant 1 : i32
    %get3A_142 = arith.index_cast %get3A_141 : i32 to index
    %get3A_143 = arith.constant 48 : index
    %get3A_144 = tpu.vector_load %arg6[%get3A_142, %get3A_143] {strides = array<i32>} : memref<250x80xi32, #tpu.memory_space<vmem>>, vector<1x16xi32>,
    %get3A_145 = vector.shape_cast %get3A_144 : vector<1x16xi32> to vector<16xi32>
    %mul3A_146 = arith.constant 2 : i32
    %mul3A_147 = vector.broadcast %mul3A_146 : i32 to vector<16xi32>
    %mul3A_148 = arith.muli %get3A_145, %mul3A_147 : vector<16xi32>
    %add3A_149 = vector.broadcast %arg0 : i32 to vector<16xi32>
    %add3A_150 = arith.addi %mul3A_148, %add3A_149 : vector<16xi32>
    %swap3A_151 = arith.constant 1 : i32
    %swap3A_152 = arith.index_cast %swap3A_151 : i32 to index
    %swap3A_153 = arith.constant 48 : index
    %swap3A_154 = tpu.vector_load %arg6[%swap3A_152, %swap3A_153] {strides = array<i32>} : memref<250x80xi32, #tpu.memory_space<vmem>>, vector<1x16xi32>,
    %swap3A_155 = vector.shape_cast %swap3A_154 : vector<1x16xi32> to vector<16xi32>
    %swap3A_156 = vector.shape_cast %add3A_150 : vector<16xi32> to vector<1x16xi32>
    tpu.vector_store %arg6[%swap3A_152, %swap3A_153], %swap3A_156 {strides = array<i32>} : memref<250x80xi32, #tpu.memory_space<vmem>>, vector<1x16xi32>,
    %get3A_157 = arith.constant 1 : i32
    %get3A_158 = arith.index_cast %get3A_157 : i32 to index
    %get3A_159 = arith.constant 64 : index
    %get3A_160 = tpu.vector_load %arg6[%get3A_158, %get3A_159] {strides = array<i32>} : memref<250x80xi32, #tpu.memory_space<vmem>>, vector<1x16xi32>,
    %get3A_161 = vector.shape_cast %get3A_160 : vector<1x16xi32> to vector<16xi32>
    %mul3A_162 = arith.constant 2 : i32
    %mul3A_163 = vector.broadcast %mul3A_162 : i32 to vector<16xi32>
    %mul3A_164 = arith.muli %get3A_161, %mul3A_163 : vector<16xi32>
    %add3A_165 = vector.broadcast %arg0 : i32 to vector<16xi32>
    %add3A_166 = arith.addi %mul3A_164, %add3A_165 : vector<16xi32>
    %swap3A_167 = arith.constant 1 : i32
    %swap3A_168 = arith.index_cast %swap3A_167 : i32 to index
    %swap3A_169 = arith.constant 64 : index
    %swap3A_170 = tpu.vector_load %arg6[%swap3A_168, %swap3A_169] {strides = array<i32>} : memref<250x80xi32, #tpu.memory_space<vmem>>, vector<1x16xi32>,
    %swap3A_171 = vector.shape_cast %swap3A_170 : vector<1x16xi32> to vector<16xi32>
    %swap3A_172 = vector.shape_cast %add3A_166 : vector<16xi32> to vector<1x16xi32>
    tpu.vector_store %arg6[%swap3A_168, %swap3A_169], %swap3A_172 {strides = array<i32>} : memref<250x80xi32, #tpu.memory_space<vmem>>, vector<1x16xi32>,
    %dma_start3A_173 = arith.constant 1 : i32
    %dma_start3A_174 = arith.constant 1 : i32
    %dma_start3A_175 = arith.constant 0 : i32
    %dma_start3A_176 = arith.constant 0 : i32
    %dma_start3A_177 = tpu.memref_slice %arg8[%dma_start3A_174, %dma_start3A_175, %dma_start3A_176] : memref<5x80x64xf32, #tpu.memory_space<vmem>> -> memref<1x80x64xf32, #tpu.memory_space<vmem>>
    %dma_start3A_178 = tpu.memref_squeeze %dma_start3A_177 : memref<1x80x64xf32, #tpu.memory_space<vmem>> -> memref<80x64xf32, #tpu.memory_space<vmem>>
    %dma_start3A_179 = arith.constant 0 : i32
    %dma_start3A_180 = tpu.memref_slice %arg6[%dma_start3A_173, %dma_start3A_179] : memref<250x80xi32, #tpu.memory_space<vmem>> -> memref<1x80xi32, #tpu.memory_space<vmem>>
    %dma_start3A_181 = tpu.memref_squeeze %dma_start3A_180 : memref<1x80xi32, #tpu.memory_space<vmem>> -> memref<80xi32, #tpu.memory_space<vmem>>
    %dma_start3A_182 = arith.constant 0 : i32
    %dma_start3A_183 = arith.constant 0 : i32
    %dma_start3A_184 = tpu.memref_slice %arg2[%dma_start3A_182, %dma_start3A_183] : memref<20000x64xf32, #tpu.memory_space<hbm>> -> memref<20000x64xf32, #tpu.memory_space<hbm>>
    tpu.enqueue_indirect_dma source(%dma_start3A_184 : memref<20000x64xf32, #tpu.memory_space<hbm>>) target(%dma_start3A_178 : memref<80x64xf32, #tpu.memory_space<vmem>>) offsets(%dma_start3A_181 : memref<80xi32, #tpu.memory_space<vmem>>) semaphore(%arg11 : memref<!tpu.dma_semaphore, #tpu.memory_space<semaphore_mem>>)
    %get3A_185 = arith.constant 2 : i32
    %get3A_186 = arith.index_cast %get3A_185 : i32 to index
    %get3A_187 = arith.constant 0 : index
    %get3A_188 = tpu.vector_load %arg6[%get3A_186, %get3A_187] {strides = array<i32>} : memref<250x80xi32, #tpu.memory_space<vmem>>, vector<1x16xi32>,
    %get3A_189 = vector.shape_cast %get3A_188 : vector<1x16xi32> to vector<16xi32>
    %mul3A_190 = arith.constant 2 : i32
    %mul3A_191 = vector.broadcast %mul3A_190 : i32 to vector<16xi32>
    %mul3A_192 = arith.muli %get3A_189, %mul3A_191 : vector<16xi32>
    %add3A_193 = vector.broadcast %arg0 : i32 to vector<16xi32>
    %add3A_194 = arith.addi %mul3A_192, %add3A_193 : vector<16xi32>
    %swap3A_195 = arith.constant 2 : i32
    %swap3A_196 = arith.index_cast %swap3A_195 : i32 to index
    %swap3A_197 = arith.constant 0 : index
    %swap3A_198 = tpu.vector_load %arg6[%swap3A_196, %swap3A_197] {strides = array<i32>} : memref<250x80xi32, #tpu.memory_space<vmem>>, vector<1x16xi32>,
    %swap3A_199 = vector.shape_cast %swap3A_198 : vector<1x16xi32> to vector<16xi32>
    %swap3A_200 = vector.shape_cast %add3A_194 : vector<16xi32> to vector<1x16xi32>
    tpu.vector_store %arg6[%swap3A_196, %swap3A_197], %swap3A_200 {strides = array<i32>} : memref<250x80xi32, #tpu.memory_space<vmem>>, vector<1x16xi32>,
    %get3A_201 = arith.constant 2 : i32
    %get3A_202 = arith.index_cast %get3A_201 : i32 to index
    %get3A_203 = arith.constant 16 : index
    %get3A_204 = tpu.vector_load %arg6[%get3A_202, %get3A_203] {strides = array<i32>} : memref<250x80xi32, #tpu.memory_space<vmem>>, vector<1x16xi32>,
    %get3A_205 = vector.shape_cast %get3A_204 : vector<1x16xi32> to vector<16xi32>
    %mul3A_206 = arith.constant 2 : i32
    %mul3A_207 = vector.broadcast %mul3A_206 : i32 to vector<16xi32>
    %mul3A_208 = arith.muli %get3A_205, %mul3A_207 : vector<16xi32>
    %add3A_209 = vector.broadcast %arg0 : i32 to vector<16xi32>
    %add3A_210 = arith.addi %mul3A_208, %add3A_209 : vector<16xi32>
    %swap3A_211 = arith.constant 2 : i32
    %swap3A_212 = arith.index_cast %swap3A_211 : i32 to index
    %swap3A_213 = arith.constant 16 : index
    %swap3A_214 = tpu.vector_load %arg6[%swap3A_212, %swap3A_213] {strides = array<i32>} : memref<250x80xi32, #tpu.memory_space<vmem>>, vector<1x16xi32>,
    %swap3A_215 = vector.shape_cast %swap3A_214 : vector<1x16xi32> to vector<16xi32>
    %swap3A_216 = vector.shape_cast %add3A_210 : vector<16xi32> to vector<1x16xi32>
    tpu.vector_store %arg6[%swap3A_212, %swap3A_213], %swap3A_216 {strides = array<i32>} : memref<250x80xi32, #tpu.memory_space<vmem>>, vector<1x16xi32>,
    %get3A_217 = arith.constant 2 : i32
    %get3A_218 = arith.index_cast %get3A_217 : i32 to index
    %get3A_219 = arith.constant 32 : index
    %get3A_220 = tpu.vector_load %arg6[%get3A_218, %get3A_219] {strides = array<i32>} : memref<250x80xi32, #tpu.memory_space<vmem>>, vector<1x16xi32>,
    %get3A_221 = vector.shape_cast %get3A_220 : vector<1x16xi32> to vector<16xi32>
    %mul3A_222 = arith.constant 2 : i32
    %mul3A_223 = vector.broadcast %mul3A_222 : i32 to vector<16xi32>
    %mul3A_224 = arith.muli %get3A_221, %mul3A_223 : vector<16xi32>
    %add3A_225 = vector.broadcast %arg0 : i32 to vector<16xi32>
    %add3A_226 = arith.addi %mul3A_224, %add3A_225 : vector<16xi32>
    %swap3A_227 = arith.constant 2 : i32
    %swap3A_228 = arith.index_cast %swap3A_227 : i32 to index
    %swap3A_229 = arith.constant 32 : index
    %swap3A_230 = tpu.vector_load %arg6[%swap3A_228, %swap3A_229] {strides = array<i32>} : memref<250x80xi32, #tpu.memory_space<vmem>>, vector<1x16xi32>,
    %swap3A_231 = vector.shape_cast %swap3A_230 : vector<1x16xi32> to vector<16xi32>
    %swap3A_232 = vector.shape_cast %add3A_226 : vector<16xi32> to vector<1x16xi32>
    tpu.vector_store %arg6[%swap3A_228, %swap3A_229], %swap3A_232 {strides = array<i32>} : memref<250x80xi32, #tpu.memory_space<vmem>>, vector<1x16xi32>,
    %get3A_233 = arith.constant 2 : i32
    %get3A_234 = arith.index_cast %get3A_233 : i32 to index
    %get3A_235 = arith.constant 48 : index
    %get3A_236 = tpu.vector_load %arg6[%get3A_234, %get3A_235] {strides = array<i32>} : memref<250x80xi32, #tpu.memory_space<vmem>>, vector<1x16xi32>,
    %get3A_237 = vector.shape_cast %get3A_236 : vector<1x16xi32> to vector<16xi32>
    %mul3A_238 = arith.constant 2 : i32
    %mul3A_239 = vector.broadcast %mul3A_238 : i32 to vector<16xi32>
    %mul3A_240 = arith.muli %get3A_237, %mul3A_239 : vector<16xi32>
    %add3A_241 = vector.broadcast %arg0 : i32 to vector<16xi32>
    %add3A_242 = arith.addi %mul3A_240, %add3A_241 : vector<16xi32>
    %swap3A_243 = arith.constant 2 : i32
    %swap3A_244 = arith.index_cast %swap3A_243 : i32 to index
    %swap3A_245 = arith.constant 48 : index
    %swap3A_246 = tpu.vector_load %arg6[%swap3A_244, %swap3A_245] {strides = array<i32>} : memref<250x80xi32, #tpu.memory_space<vmem>>, vector<1x16xi32>,
    %swap3A_247 = vector.shape_cast %swap3A_246 : vector<1x16xi32> to vector<16xi32>
    %swap3A_248 = vector.shape_cast %add3A_242 : vector<16xi32> to vector<1x16xi32>
    tpu.vector_store %arg6[%swap3A_244, %swap3A_245], %swap3A_248 {strides = array<i32>} : memref<250x80xi32, #tpu.memory_space<vmem>>, vector<1x16xi32>,
    %get3A_249 = arith.constant 2 : i32
    %get3A_250 = arith.index_cast %get3A_249 : i32 to index
    %get3A_251 = arith.constant 64 : index
    %get3A_252 = tpu.vector_load %arg6[%get3A_250, %get3A_251] {strides = array<i32>} : memref<250x80xi32, #tpu.memory_space<vmem>>, vector<1x16xi32>,
    %get3A_253 = vector.shape_cast %get3A_252 : vector<1x16xi32> to vector<16xi32>
    %mul3A_254 = arith.constant 2 : i32
    %mul3A_255 = vector.broadcast %mul3A_254 : i32 to vector<16xi32>
    %mul3A_256 = arith.muli %get3A_253, %mul3A_255 : vector<16xi32>
    %add3A_257 = vector.broadcast %arg0 : i32 to vector<16xi32>
    %add3A_258 = arith.addi %mul3A_256, %add3A_257 : vector<16xi32>
    %swap3A_259 = arith.constant 2 : i32
    %swap3A_260 = arith.index_cast %swap3A_259 : i32 to index
    %swap3A_261 = arith.constant 64 : index
    %swap3A_262 = tpu.vector_load %arg6[%swap3A_260, %swap3A_261] {strides = array<i32>} : memref<250x80xi32, #tpu.memory_space<vmem>>, vector<1x16xi32>,
    %swap3A_263 = vector.shape_cast %swap3A_262 : vector<1x16xi32> to vector<16xi32>
    %swap3A_264 = vector.shape_cast %add3A_258 : vector<16xi32> to vector<1x16xi32>
    tpu.vector_store %arg6[%swap3A_260, %swap3A_261], %swap3A_264 {strides = array<i32>} : memref<250x80xi32, #tpu.memory_space<vmem>>, vector<1x16xi32>,
    %dma_start3A_265 = arith.constant 2 : i32
    %dma_start3A_266 = arith.constant 2 : i32
    %dma_start3A_267 = arith.constant 0 : i32
    %dma_start3A_268 = arith.constant 0 : i32
    %dma_start3A_269 = tpu.memref_slice %arg8[%dma_start3A_266, %dma_start3A_267, %dma_start3A_268] : memref<5x80x64xf32, #tpu.memory_space<vmem>> -> memref<1x80x64xf32, #tpu.memory_space<vmem>>
    %dma_start3A_270 = tpu.memref_squeeze %dma_start3A_269 : memref<1x80x64xf32, #tpu.memory_space<vmem>> -> memref<80x64xf32, #tpu.memory_space<vmem>>
    %dma_start3A_271 = arith.constant 0 : i32
    %dma_start3A_272 = tpu.memref_slice %arg6[%dma_start3A_265, %dma_start3A_271] : memref<250x80xi32, #tpu.memory_space<vmem>> -> memref<1x80xi32, #tpu.memory_space<vmem>>
    %dma_start3A_273 = tpu.memref_squeeze %dma_start3A_272 : memref<1x80xi32, #tpu.memory_space<vmem>> -> memref<80xi32, #tpu.memory_space<vmem>>
    %dma_start3A_274 = arith.constant 0 : i32
    %dma_start3A_275 = arith.constant 0 : i32
    %dma_start3A_276 = tpu.memref_slice %arg2[%dma_start3A_274, %dma_start3A_275] : memref<20000x64xf32, #tpu.memory_space<hbm>> -> memref<20000x64xf32, #tpu.memory_space<hbm>>
    tpu.enqueue_indirect_dma source(%dma_start3A_276 : memref<20000x64xf32, #tpu.memory_space<hbm>>) target(%dma_start3A_270 : memref<80x64xf32, #tpu.memory_space<vmem>>) offsets(%dma_start3A_273 : memref<80xi32, #tpu.memory_space<vmem>>) semaphore(%arg12 : memref<!tpu.dma_semaphore, #tpu.memory_space<semaphore_mem>>)
    %get3A_277 = arith.constant 3 : i32
    %get3A_278 = arith.index_cast %get3A_277 : i32 to index
    %get3A_279 = arith.constant 0 : index
    %get3A_280 = tpu.vector_load %arg6[%get3A_278, %get3A_279] {strides = array<i32>} : memref<250x80xi32, #tpu.memory_space<vmem>>, vector<1x16xi32>,
    %get3A_281 = vector.shape_cast %get3A_280 : vector<1x16xi32> to vector<16xi32>
    %mul3A_282 = arith.constant 2 : i32
    %mul3A_283 = vector.broadcast %mul3A_282 : i32 to vector<16xi32>
    %mul3A_284 = arith.muli %get3A_281, %mul3A_283 : vector<16xi32>
    %add3A_285 = vector.broadcast %arg0 : i32 to vector<16xi32>
    %add3A_286 = arith.addi %mul3A_284, %add3A_285 : vector<16xi32>
    %swap3A_287 = arith.constant 3 : i32
    %swap3A_288 = arith.index_cast %swap3A_287 : i32 to index
    %swap3A_289 = arith.constant 0 : index
    %swap3A_290 = tpu.vector_load %arg6[%swap3A_288, %swap3A_289] {strides = array<i32>} : memref<250x80xi32, #tpu.memory_space<vmem>>, vector<1x16xi32>,
    %swap3A_291 = vector.shape_cast %swap3A_290 : vector<1x16xi32> to vector<16xi32>
    %swap3A_292 = vector.shape_cast %add3A_286 : vector<16xi32> to vector<1x16xi32>
    tpu.vector_store %arg6[%swap3A_288, %swap3A_289], %swap3A_292 {strides = array<i32>} : memref<250x80xi32, #tpu.memory_space<vmem>>, vector<1x16xi32>,
    %get3A_293 = arith.constant 3 : i32
    %get3A_294 = arith.index_cast %get3A_293 : i32 to index
    %get3A_295 = arith.constant 16 : index
    %get3A_296 = tpu.vector_load %arg6[%get3A_294, %get3A_295] {strides = array<i32>} : memref<250x80xi32, #tpu.memory_space<vmem>>, vector<1x16xi32>,
    %get3A_297 = vector.shape_cast %get3A_296 : vector<1x16xi32> to vector<16xi32>
    %mul3A_298 = arith.constant 2 : i32
    %mul3A_299 = vector.broadcast %mul3A_298 : i32 to vector<16xi32>
    %mul3A_300 = arith.muli %get3A_297, %mul3A_299 : vector<16xi32>
    %add3A_301 = vector.broadcast %arg0 : i32 to vector<16xi32>
    %add3A_302 = arith.addi %mul3A_300, %add3A_301 : vector<16xi32>
    %swap3A_303 = arith.constant 3 : i32
    %swap3A_304 = arith.index_cast %swap3A_303 : i32 to index
    %swap3A_305 = arith.constant 16 : index
    %swap3A_306 = tpu.vector_load %arg6[%swap3A_304, %swap3A_305] {strides = array<i32>} : memref<250x80xi32, #tpu.memory_space<vmem>>, vector<1x16xi32>,
    %swap3A_307 = vector.shape_cast %swap3A_306 : vector<1x16xi32> to vector<16xi32>
    %swap3A_308 = vector.shape_cast %add3A_302 : vector<16xi32> to vector<1x16xi32>
    tpu.vector_store %arg6[%swap3A_304, %swap3A_305], %swap3A_308 {strides = array<i32>} : memref<250x80xi32, #tpu.memory_space<vmem>>, vector<1x16xi32>,
    %get3A_309 = arith.constant 3 : i32
    %get3A_310 = arith.index_cast %get3A_309 : i32 to index
    %get3A_311 = arith.constant 32 : index
    %get3A_312 = tpu.vector_load %arg6[%get3A_310, %get3A_311] {strides = array<i32>} : memref<250x80xi32, #tpu.memory_space<vmem>>, vector<1x16xi32>,
    %get3A_313 = vector.shape_cast %get3A_312 : vector<1x16xi32> to vector<16xi32>
    %mul3A_314 = arith.constant 2 : i32
    %mul3A_315 = vector.broadcast %mul3A_314 : i32 to vector<16xi32>
    %mul3A_316 = arith.muli %get3A_313, %mul3A_315 : vector<16xi32>
    %add3A_317 = vector.broadcast %arg0 : i32 to vector<16xi32>
    %add3A_318 = arith.addi %mul3A_316, %add3A_317 : vector<16xi32>
    %swap3A_319 = arith.constant 3 : i32
    %swap3A_320 = arith.index_cast %swap3A_319 : i32 to index
    %swap3A_321 = arith.constant 32 : index
    %swap3A_322 = tpu.vector_load %arg6[%swap3A_320, %swap3A_321] {strides = array<i32>} : memref<250x80xi32, #tpu.memory_space<vmem>>, vector<1x16xi32>,
    %swap3A_323 = vector.shape_cast %swap3A_322 : vector<1x16xi32> to vector<16xi32>
    %swap3A_324 = vector.shape_cast %add3A_318 : vector<16xi32> to vector<1x16xi32>
    tpu.vector_store %arg6[%swap3A_320, %swap3A_321], %swap3A_324 {strides = array<i32>} : memref<250x80xi32, #tpu.memory_space<vmem>>, vector<1x16xi32>,
    %get3A_325 = arith.constant 3 : i32
    %get3A_326 = arith.index_cast %get3A_325 : i32 to index
    %get3A_327 = arith.constant 48 : index
    %get3A_328 = tpu.vector_load %arg6[%get3A_326, %get3A_327] {strides = array<i32>} : memref<250x80xi32, #tpu.memory_space<vmem>>, vector<1x16xi32>,
    %get3A_329 = vector.shape_cast %get3A_328 : vector<1x16xi32> to vector<16xi32>
    %mul3A_330 = arith.constant 2 : i32
    %mul3A_331 = vector.broadcast %mul3A_330 : i32 to vector<16xi32>
    %mul3A_332 = arith.muli %get3A_329, %mul3A_331 : vector<16xi32>
    %add3A_333 = vector.broadcast %arg0 : i32 to vector<16xi32>
    %add3A_334 = arith.addi %mul3A_332, %add3A_333 : vector<16xi32>
    %swap3A_335 = arith.constant 3 : i32
    %swap3A_336 = arith.index_cast %swap3A_335 : i32 to index
    %swap3A_337 = arith.constant 48 : index
    %swap3A_338 = tpu.vector_load %arg6[%swap3A_336, %swap3A_337] {strides = array<i32>} : memref<250x80xi32, #tpu.memory_space<vmem>>, vector<1x16xi32>,
    %swap3A_339 = vector.shape_cast %swap3A_338 : vector<1x16xi32> to vector<16xi32>
    %swap3A_340 = vector.shape_cast %add3A_334 : vector<16xi32> to vector<1x16xi32>
    tpu.vector_store %arg6[%swap3A_336, %swap3A_337], %swap3A_340 {strides = array<i32>} : memref<250x80xi32, #tpu.memory_space<vmem>>, vector<1x16xi32>,
    %get3A_341 = arith.constant 3 : i32
    %get3A_342 = arith.index_cast %get3A_341 : i32 to index
    %get3A_343 = arith.constant 64 : index
    %get3A_344 = tpu.vector_load %arg6[%get3A_342, %get3A_343] {strides = array<i32>} : memref<250x80xi32, #tpu.memory_space<vmem>>, vector<1x16xi32>,
    %get3A_345 = vector.shape_cast %get3A_344 : vector<1x16xi32> to vector<16xi32>
    %mul3A_346 = arith.constant 2 : i32
    %mul3A_347 = vector.broadcast %mul3A_346 : i32 to vector<16xi32>
    %mul3A_348 = arith.muli %get3A_345, %mul3A_347 : vector<16xi32>
    %add3A_349 = vector.broadcast %arg0 : i32 to vector<16xi32>
    %add3A_350 = arith.addi %mul3A_348, %add3A_349 : vector<16xi32>
    %swap3A_351 = arith.constant 3 : i32
    %swap3A_352 = arith.index_cast %swap3A_351 : i32 to index
    %swap3A_353 = arith.constant 64 : index
    %swap3A_354 = tpu.vector_load %arg6[%swap3A_352, %swap3A_353] {strides = array<i32>} : memref<250x80xi32, #tpu.memory_space<vmem>>, vector<1x16xi32>,
    %swap3A_355 = vector.shape_cast %swap3A_354 : vector<1x16xi32> to vector<16xi32>
    %swap3A_356 = vector.shape_cast %add3A_350 : vector<16xi32> to vector<1x16xi32>
    tpu.vector_store %arg6[%swap3A_352, %swap3A_353], %swap3A_356 {strides = array<i32>} : memref<250x80xi32, #tpu.memory_space<vmem>>, vector<1x16xi32>,
    %dma_start3A_357 = arith.constant 3 : i32
    %dma_start3A_358 = arith.constant 3 : i32
    %dma_start3A_359 = arith.constant 0 : i32
    %dma_start3A_360 = arith.constant 0 : i32
    %dma_start3A_361 = tpu.memref_slice %arg8[%dma_start3A_358, %dma_start3A_359, %dma_start3A_360] : memref<5x80x64xf32, #tpu.memory_space<vmem>> -> memref<1x80x64xf32, #tpu.memory_space<vmem>>
    %dma_start3A_362 = tpu.memref_squeeze %dma_start3A_361 : memref<1x80x64xf32, #tpu.memory_space<vmem>> -> memref<80x64xf32, #tpu.memory_space<vmem>>
    %dma_start3A_363 = arith.constant 0 : i32
    %dma_start3A_364 = tpu.memref_slice %arg6[%dma_start3A_357, %dma_start3A_363] : memref<250x80xi32, #tpu.memory_space<vmem>> -> memref<1x80xi32, #tpu.memory_space<vmem>>
    %dma_start3A_365 = tpu.memref_squeeze %dma_start3A_364 : memref<1x80xi32, #tpu.memory_space<vmem>> -> memref<80xi32, #tpu.memory_space<vmem>>
    %dma_start3A_366 = arith.constant 0 : i32
    %dma_start3A_367 = arith.constant 0 : i32
    %dma_start3A_368 = tpu.memref_slice %arg2[%dma_start3A_366, %dma_start3A_367] : memref<20000x64xf32, #tpu.memory_space<hbm>> -> memref<20000x64xf32, #tpu.memory_space<hbm>>
    tpu.enqueue_indirect_dma source(%dma_start3A_368 : memref<20000x64xf32, #tpu.memory_space<hbm>>) target(%dma_start3A_362 : memref<80x64xf32, #tpu.memory_space<vmem>>) offsets(%dma_start3A_365 : memref<80xi32, #tpu.memory_space<vmem>>) semaphore(%arg13 : memref<!tpu.dma_semaphore, #tpu.memory_space<semaphore_mem>>)
    %get3A_369 = arith.constant 4 : i32
    %get3A_370 = arith.index_cast %get3A_369 : i32 to index
    %get3A_371 = arith.constant 0 : index
    %get3A_372 = tpu.vector_load %arg6[%get3A_370, %get3A_371] {strides = array<i32>} : memref<250x80xi32, #tpu.memory_space<vmem>>, vector<1x16xi32>,
    %get3A_373 = vector.shape_cast %get3A_372 : vector<1x16xi32> to vector<16xi32>
    %mul3A_374 = arith.constant 2 : i32
    %mul3A_375 = vector.broadcast %mul3A_374 : i32 to vector<16xi32>
    %mul3A_376 = arith.muli %get3A_373, %mul3A_375 : vector<16xi32>
    %add3A_377 = vector.broadcast %arg0 : i32 to vector<16xi32>
    %add3A_378 = arith.addi %mul3A_376, %add3A_377 : vector<16xi32>
    %swap3A_379 = arith.constant 4 : i32
    %swap3A_380 = arith.index_cast %swap3A_379 : i32 to index
    %swap3A_381 = arith.constant 0 : index
    %swap3A_382 = tpu.vector_load %arg6[%swap3A_380, %swap3A_381] {strides = array<i32>} : memref<250x80xi32, #tpu.memory_space<vmem>>, vector<1x16xi32>,
    %swap3A_383 = vector.shape_cast %swap3A_382 : vector<1x16xi32> to vector<16xi32>
    %swap3A_384 = vector.shape_cast %add3A_378 : vector<16xi32> to vector<1x16xi32>
    tpu.vector_store %arg6[%swap3A_380, %swap3A_381], %swap3A_384 {strides = array<i32>} : memref<250x80xi32, #tpu.memory_space<vmem>>, vector<1x16xi32>,
    %get3A_385 = arith.constant 4 : i32
    %get3A_386 = arith.index_cast %get3A_385 : i32 to index
    %get3A_387 = arith.constant 16 : index
    %get3A_388 = tpu.vector_load %arg6[%get3A_386, %get3A_387] {strides = array<i32>} : memref<250x80xi32, #tpu.memory_space<vmem>>, vector<1x16xi32>,
    %get3A_389 = vector.shape_cast %get3A_388 : vector<1x16xi32> to vector<16xi32>
    %mul3A_390 = arith.constant 2 : i32
    %mul3A_391 = vector.broadcast %mul3A_390 : i32 to vector<16xi32>
    %mul3A_392 = arith.muli %get3A_389, %mul3A_391 : vector<16xi32>
    %add3A_393 = vector.broadcast %arg0 : i32 to vector<16xi32>
    %add3A_394 = arith.addi %mul3A_392, %add3A_393 : vector<16xi32>
    %swap3A_395 = arith.constant 4 : i32
    %swap3A_396 = arith.index_cast %swap3A_395 : i32 to index
    %swap3A_397 = arith.constant 16 : index
    %swap3A_398 = tpu.vector_load %arg6[%swap3A_396, %swap3A_397] {strides = array<i32>} : memref<250x80xi32, #tpu.memory_space<vmem>>, vector<1x16xi32>,
    %swap3A_399 = vector.shape_cast %swap3A_398 : vector<1x16xi32> to vector<16xi32>
    %swap3A_400 = vector.shape_cast %add3A_394 : vector<16xi32> to vector<1x16xi32>
    tpu.vector_store %arg6[%swap3A_396, %swap3A_397], %swap3A_400 {strides = array<i32>} : memref<250x80xi32, #tpu.memory_space<vmem>>, vector<1x16xi32>,
    %get3A_401 = arith.constant 4 : i32
    %get3A_402 = arith.index_cast %get3A_401 : i32 to index
    %get3A_403 = arith.constant 32 : index
    %get3A_404 = tpu.vector_load %arg6[%get3A_402, %get3A_403] {strides = array<i32>} : memref<250x80xi32, #tpu.memory_space<vmem>>, vector<1x16xi32>,
    %get3A_405 = vector.shape_cast %get3A_404 : vector<1x16xi32> to vector<16xi32>
    %mul3A_406 = arith.constant 2 : i32
    %mul3A_407 = vector.broadcast %mul3A_406 : i32 to vector<16xi32>
    %mul3A_408 = arith.muli %get3A_405, %mul3A_407 : vector<16xi32>
    %add3A_409 = vector.broadcast %arg0 : i32 to vector<16xi32>
    %add3A_410 = arith.addi %mul3A_408, %add3A_409 : vector<16xi32>
    %swap3A_411 = arith.constant 4 : i32
    %swap3A_412 = arith.index_cast %swap3A_411 : i32 to index
    %swap3A_413 = arith.constant 32 : index
    %swap3A_414 = tpu.vector_load %arg6[%swap3A_412, %swap3A_413] {strides = array<i32>} : memref<250x80xi32, #tpu.memory_space<vmem>>, vector<1x16xi32>,
    %swap3A_415 = vector.shape_cast %swap3A_414 : vector<1x16xi32> to vector<16xi32>
    %swap3A_416 = vector.shape_cast %add3A_410 : vector<16xi32> to vector<1x16xi32>
    tpu.vector_store %arg6[%swap3A_412, %swap3A_413], %swap3A_416 {strides = array<i32>} : memref<250x80xi32, #tpu.memory_space<vmem>>, vector<1x16xi32>,
    %get3A_417 = arith.constant 4 : i32
    %get3A_418 = arith.index_cast %get3A_417 : i32 to index
    %get3A_419 = arith.constant 48 : index
    %get3A_420 = tpu.vector_load %arg6[%get3A_418, %get3A_419] {strides = array<i32>} : memref<250x80xi32, #tpu.memory_space<vmem>>, vector<1x16xi32>,
    %get3A_421 = vector.shape_cast %get3A_420 : vector<1x16xi32> to vector<16xi32>
    %mul3A_422 = arith.constant 2 : i32
    %mul3A_423 = vector.broadcast %mul3A_422 : i32 to vector<16xi32>
    %mul3A_424 = arith.muli %get3A_421, %mul3A_423 : vector<16xi32>
    %add3A_425 = vector.broadcast %arg0 : i32 to vector<16xi32>
    %add3A_426 = arith.addi %mul3A_424, %add3A_425 : vector<16xi32>
    %swap3A_427 = arith.constant 4 : i32
    %swap3A_428 = arith.index_cast %swap3A_427 : i32 to index
    %swap3A_429 = arith.constant 48 : index
    %swap3A_430 = tpu.vector_load %arg6[%swap3A_428, %swap3A_429] {strides = array<i32>} : memref<250x80xi32, #tpu.memory_space<vmem>>, vector<1x16xi32>,
    %swap3A_431 = vector.shape_cast %swap3A_430 : vector<1x16xi32> to vector<16xi32>
    %swap3A_432 = vector.shape_cast %add3A_426 : vector<16xi32> to vector<1x16xi32>
    tpu.vector_store %arg6[%swap3A_428, %swap3A_429], %swap3A_432 {strides = array<i32>} : memref<250x80xi32, #tpu.memory_space<vmem>>, vector<1x16xi32>,
    %get3A_433 = arith.constant 4 : i32
    %get3A_434 = arith.index_cast %get3A_433 : i32 to index
    %get3A_435 = arith.constant 64 : index
    %get3A_436 = tpu.vector_load %arg6[%get3A_434, %get3A_435] {strides = array<i32>} : memref<250x80xi32, #tpu.memory_space<vmem>>, vector<1x16xi32>,
    %get3A_437 = vector.shape_cast %get3A_436 : vector<1x16xi32> to vector<16xi32>
    %mul3A_438 = arith.constant 2 : i32
    %mul3A_439 = vector.broadcast %mul3A_438 : i32 to vector<16xi32>
    %mul3A_440 = arith.muli %get3A_437, %mul3A_439 : vector<16xi32>
    %add3A_441 = vector.broadcast %arg0 : i32 to vector<16xi32>
    %add3A_442 = arith.addi %mul3A_440, %add3A_441 : vector<16xi32>
    %swap3A_443 = arith.constant 4 : i32
    %swap3A_444 = arith.index_cast %swap3A_443 : i32 to index
    %swap3A_445 = arith.constant 64 : index
    %swap3A_446 = tpu.vector_load %arg6[%swap3A_444, %swap3A_445] {strides = array<i32>} : memref<250x80xi32, #tpu.memory_space<vmem>>, vector<1x16xi32>,
    %swap3A_447 = vector.shape_cast %swap3A_446 : vector<1x16xi32> to vector<16xi32>
    %swap3A_448 = vector.shape_cast %add3A_442 : vector<16xi32> to vector<1x16xi32>
    tpu.vector_store %arg6[%swap3A_444, %swap3A_445], %swap3A_448 {strides = array<i32>} : memref<250x80xi32, #tpu.memory_space<vmem>>, vector<1x16xi32>,
    %dma_start3A_449 = arith.constant 4 : i32
    %dma_start3A_450 = arith.constant 4 : i32
    %dma_start3A_451 = arith.constant 0 : i32
    %dma_start3A_452 = arith.constant 0 : i32
    %dma_start3A_453 = tpu.memref_slice %arg8[%dma_start3A_450, %dma_start3A_451, %dma_start3A_452] : memref<5x80x64xf32, #tpu.memory_space<vmem>> -> memref<1x80x64xf32, #tpu.memory_space<vmem>>
    %dma_start3A_454 = tpu.memref_squeeze %dma_start3A_453 : memref<1x80x64xf32, #tpu.memory_space<vmem>> -> memref<80x64xf32, #tpu.memory_space<vmem>>
    %dma_start3A_455 = arith.constant 0 : i32
    %dma_start3A_456 = tpu.memref_slice %arg6[%dma_start3A_449, %dma_start3A_455] : memref<250x80xi32, #tpu.memory_space<vmem>> -> memref<1x80xi32, #tpu.memory_space<vmem>>
    %dma_start3A_457 = tpu.memref_squeeze %dma_start3A_456 : memref<1x80xi32, #tpu.memory_space<vmem>> -> memref<80xi32, #tpu.memory_space<vmem>>
    %dma_start3A_458 = arith.constant 0 : i32
    %dma_start3A_459 = arith.constant 0 : i32
    %dma_start3A_460 = tpu.memref_slice %arg2[%dma_start3A_458, %dma_start3A_459] : memref<20000x64xf32, #tpu.memory_space<hbm>> -> memref<20000x64xf32, #tpu.memory_space<hbm>>
    tpu.enqueue_indirect_dma source(%dma_start3A_460 : memref<20000x64xf32, #tpu.memory_space<hbm>>) target(%dma_start3A_454 : memref<80x64xf32, #tpu.memory_space<vmem>>) offsets(%dma_start3A_457 : memref<80xi32, #tpu.memory_space<vmem>>) semaphore(%arg14 : memref<!tpu.dma_semaphore, #tpu.memory_space<semaphore_mem>>)
    %scan3A = arith.constant 0 : i32
    %scan3A_461 = arith.constant 0 : i32
    %scan3A_462 = arith.constant 49 : i32
    %scan3A_463 = arith.addi %scan3A_461, %scan3A_462 : i32
    %scan3A_464 = arith.constant 1 : i32
    scf.for %scan3A_647 = %scan3A_461 to %scan3A_463 step %scan3A_464  : i32 {
      %mul3A_648 = arith.constant 5 : i32
      %mul3A_649 = arith.muli %scan3A_647, %mul3A_648 : i32
      %add3A_650 = arith.constant 0 : i32
      %add3A_651 = arith.addi %mul3A_649, %add3A_650 : i32
      %dma_wait3A_652 = arith.constant 0 : i32
      %dma_wait3A_653 = arith.constant 0 : i32
      %dma_wait3A_654 = arith.constant 0 : i32
      %dma_wait3A_655 = tpu.memref_slice %arg8[%dma_wait3A_652, %dma_wait3A_653, %dma_wait3A_654] : memref<5x80x64xf32, #tpu.memory_space<vmem>> -> memref<1x80x64xf32, #tpu.memory_space<vmem>>
      %dma_wait3A_656 = tpu.memref_squeeze %dma_wait3A_655 : memref<1x80x64xf32, #tpu.memory_space<vmem>> -> memref<80x64xf32, #tpu.memory_space<vmem>>
      %dma_wait3A_657 = arith.constant 0 : i32
      %dma_wait3A_658 = tpu.memref_slice %arg6[%add3A_651, %dma_wait3A_657] : memref<250x80xi32, #tpu.memory_space<vmem>> -> memref<1x80xi32, #tpu.memory_space<vmem>>
      %dma_wait3A_659 = tpu.memref_squeeze %dma_wait3A_658 : memref<1x80xi32, #tpu.memory_space<vmem>> -> memref<80xi32, #tpu.memory_space<vmem>>
      %dma_wait3A_660 = arith.constant 0 : i32
      %dma_wait3A_661 = arith.constant 0 : i32
      %dma_wait3A_662 = tpu.memref_slice %arg2[%dma_wait3A_660, %dma_wait3A_661] : memref<20000x64xf32, #tpu.memory_space<hbm>> -> memref<20000x64xf32, #tpu.memory_space<hbm>>
      tpu.wait_indirect_dma semaphore(%arg10 : memref<!tpu.dma_semaphore, #tpu.memory_space<semaphore_mem>>) src(%dma_wait3A_662 : memref<20000x64xf32, #tpu.memory_space<hbm>>) dst(%dma_wait3A_656 : memref<80x64xf32, #tpu.memory_space<vmem>>)
      %dma_start3A_663 = arith.constant 0 : i32
      %dma_start3A_664 = arith.constant 0 : i32
      %dma_start3A_665 = arith.constant 0 : i32
      %dma_start3A_666 = tpu.memref_slice %arg8[%dma_start3A_663, %dma_start3A_664, %dma_start3A_665] : memref<5x80x64xf32, #tpu.memory_space<vmem>> -> memref<1x80x64xf32, #tpu.memory_space<vmem>>
      %dma_start3A_667 = tpu.memref_squeeze %dma_start3A_666 : memref<1x80x64xf32, #tpu.memory_space<vmem>> -> memref<80x64xf32, #tpu.memory_space<vmem>>
      %dma_start3A_668 = arith.constant 0 : i32
      %dma_start3A_669 = tpu.memref_slice %arg7[%add3A_651, %dma_start3A_668] : memref<250x80xi32, #tpu.memory_space<vmem>> -> memref<1x80xi32, #tpu.memory_space<vmem>>
      %dma_start3A_670 = tpu.memref_squeeze %dma_start3A_669 : memref<1x80xi32, #tpu.memory_space<vmem>> -> memref<80xi32, #tpu.memory_space<vmem>>
      %dma_start3A_671 = arith.constant 0 : i32
      %dma_start3A_672 = arith.constant 0 : i32
      %dma_start3A_673 = tpu.memref_slice %arg9[%dma_start3A_671, %dma_start3A_672] : memref<10240x64xf32, #tpu.memory_space<vmem_shared>> -> memref<10240x64xf32, #tpu.memory_space<vmem_shared>>
      tpu.enqueue_indirect_dma source(%dma_start3A_667 : memref<80x64xf32, #tpu.memory_space<vmem>>) target(%dma_start3A_673 : memref<10240x64xf32, #tpu.memory_space<vmem_shared>>) offsets(%dma_start3A_670 : memref<80xi32, #tpu.memory_space<vmem>>) semaphore(%arg15 : memref<!tpu.dma_semaphore, #tpu.memory_space<semaphore_mem>>) {add = true}
      %mul3A_674 = arith.constant 5 : i32
      %mul3A_675 = arith.muli %scan3A_647, %mul3A_674 : i32
      %add3A_676 = arith.constant 1 : i32
      %add3A_677 = arith.addi %mul3A_675, %add3A_676 : i32
      %dma_wait3A_678 = arith.constant 1 : i32
      %dma_wait3A_679 = arith.constant 0 : i32
      %dma_wait3A_680 = arith.constant 0 : i32
      %dma_wait3A_681 = tpu.memref_slice %arg8[%dma_wait3A_678, %dma_wait3A_679, %dma_wait3A_680] : memref<5x80x64xf32, #tpu.memory_space<vmem>> -> memref<1x80x64xf32, #tpu.memory_space<vmem>>
      %dma_wait3A_682 = tpu.memref_squeeze %dma_wait3A_681 : memref<1x80x64xf32, #tpu.memory_space<vmem>> -> memref<80x64xf32, #tpu.memory_space<vmem>>
      %dma_wait3A_683 = arith.constant 0 : i32
      %dma_wait3A_684 = tpu.memref_slice %arg6[%add3A_677, %dma_wait3A_683] : memref<250x80xi32, #tpu.memory_space<vmem>> -> memref<1x80xi32, #tpu.memory_space<vmem>>
      %dma_wait3A_685 = tpu.memref_squeeze %dma_wait3A_684 : memref<1x80xi32, #tpu.memory_space<vmem>> -> memref<80xi32, #tpu.memory_space<vmem>>
      %dma_wait3A_686 = arith.constant 0 : i32
      %dma_wait3A_687 = arith.constant 0 : i32
      %dma_wait3A_688 = tpu.memref_slice %arg2[%dma_wait3A_686, %dma_wait3A_687] : memref<20000x64xf32, #tpu.memory_space<hbm>> -> memref<20000x64xf32, #tpu.memory_space<hbm>>
      tpu.wait_indirect_dma semaphore(%arg11 : memref<!tpu.dma_semaphore, #tpu.memory_space<semaphore_mem>>) src(%dma_wait3A_688 : memref<20000x64xf32, #tpu.memory_space<hbm>>) dst(%dma_wait3A_682 : memref<80x64xf32, #tpu.memory_space<vmem>>)
      %dma_start3A_689 = arith.constant 1 : i32
      %dma_start3A_690 = arith.constant 0 : i32
      %dma_start3A_691 = arith.constant 0 : i32
      %dma_start3A_692 = tpu.memref_slice %arg8[%dma_start3A_689, %dma_start3A_690, %dma_start3A_691] : memref<5x80x64xf32, #tpu.memory_space<vmem>> -> memref<1x80x64xf32, #tpu.memory_space<vmem>>
      %dma_start3A_693 = tpu.memref_squeeze %dma_start3A_692 : memref<1x80x64xf32, #tpu.memory_space<vmem>> -> memref<80x64xf32, #tpu.memory_space<vmem>>
      %dma_start3A_694 = arith.constant 0 : i32
      %dma_start3A_695 = tpu.memref_slice %arg7[%add3A_677, %dma_start3A_694] : memref<250x80xi32, #tpu.memory_space<vmem>> -> memref<1x80xi32, #tpu.memory_space<vmem>>
      %dma_start3A_696 = tpu.memref_squeeze %dma_start3A_695 : memref<1x80xi32, #tpu.memory_space<vmem>> -> memref<80xi32, #tpu.memory_space<vmem>>
      %dma_start3A_697 = arith.constant 0 : i32
      %dma_start3A_698 = arith.constant 0 : i32
      %dma_start3A_699 = tpu.memref_slice %arg9[%dma_start3A_697, %dma_start3A_698] : memref<10240x64xf32, #tpu.memory_space<vmem_shared>> -> memref<10240x64xf32, #tpu.memory_space<vmem_shared>>
      tpu.enqueue_indirect_dma source(%dma_start3A_693 : memref<80x64xf32, #tpu.memory_space<vmem>>) target(%dma_start3A_699 : memref<10240x64xf32, #tpu.memory_space<vmem_shared>>) offsets(%dma_start3A_696 : memref<80xi32, #tpu.memory_space<vmem>>) semaphore(%arg16 : memref<!tpu.dma_semaphore, #tpu.memory_space<semaphore_mem>>) {add = true}
      %mul3A_700 = arith.constant 5 : i32
      %mul3A_701 = arith.muli %scan3A_647, %mul3A_700 : i32
      %add3A_702 = arith.constant 2 : i32
      %add3A_703 = arith.addi %mul3A_701, %add3A_702 : i32
      %dma_wait3A_704 = arith.constant 2 : i32
      %dma_wait3A_705 = arith.constant 0 : i32
      %dma_wait3A_706 = arith.constant 0 : i32
      %dma_wait3A_707 = tpu.memref_slice %arg8[%dma_wait3A_704, %dma_wait3A_705, %dma_wait3A_706] : memref<5x80x64xf32, #tpu.memory_space<vmem>> -> memref<1x80x64xf32, #tpu.memory_space<vmem>>
      %dma_wait3A_708 = tpu.memref_squeeze %dma_wait3A_707 : memref<1x80x64xf32, #tpu.memory_space<vmem>> -> memref<80x64xf32, #tpu.memory_space<vmem>>
      %dma_wait3A_709 = arith.constant 0 : i32
      %dma_wait3A_710 = tpu.memref_slice %arg6[%add3A_703, %dma_wait3A_709] : memref<250x80xi32, #tpu.memory_space<vmem>> -> memref<1x80xi32, #tpu.memory_space<vmem>>
      %dma_wait3A_711 = tpu.memref_squeeze %dma_wait3A_710 : memref<1x80xi32, #tpu.memory_space<vmem>> -> memref<80xi32, #tpu.memory_space<vmem>>
      %dma_wait3A_712 = arith.constant 0 : i32
      %dma_wait3A_713 = arith.constant 0 : i32
      %dma_wait3A_714 = tpu.memref_slice %arg2[%dma_wait3A_712, %dma_wait3A_713] : memref<20000x64xf32, #tpu.memory_space<hbm>> -> memref<20000x64xf32, #tpu.memory_space<hbm>>
      tpu.wait_indirect_dma semaphore(%arg12 : memref<!tpu.dma_semaphore, #tpu.memory_space<semaphore_mem>>) src(%dma_wait3A_714 : memref<20000x64xf32, #tpu.memory_space<hbm>>) dst(%dma_wait3A_708 : memref<80x64xf32, #tpu.memory_space<vmem>>)
      %dma_start3A_715 = arith.constant 2 : i32
      %dma_start3A_716 = arith.constant 0 : i32
      %dma_start3A_717 = arith.constant 0 : i32
      %dma_start3A_718 = tpu.memref_slice %arg8[%dma_start3A_715, %dma_start3A_716, %dma_start3A_717] : memref<5x80x64xf32, #tpu.memory_space<vmem>> -> memref<1x80x64xf32, #tpu.memory_space<vmem>>
      %dma_start3A_719 = tpu.memref_squeeze %dma_start3A_718 : memref<1x80x64xf32, #tpu.memory_space<vmem>> -> memref<80x64xf32, #tpu.memory_space<vmem>>
      %dma_start3A_720 = arith.constant 0 : i32
      %dma_start3A_721 = tpu.memref_slice %arg7[%add3A_703, %dma_start3A_720] : memref<250x80xi32, #tpu.memory_space<vmem>> -> memref<1x80xi32, #tpu.memory_space<vmem>>
      %dma_start3A_722 = tpu.memref_squeeze %dma_start3A_721 : memref<1x80xi32, #tpu.memory_space<vmem>> -> memref<80xi32, #tpu.memory_space<vmem>>
      %dma_start3A_723 = arith.constant 0 : i32
      %dma_start3A_724 = arith.constant 0 : i32
      %dma_start3A_725 = tpu.memref_slice %arg9[%dma_start3A_723, %dma_start3A_724] : memref<10240x64xf32, #tpu.memory_space<vmem_shared>> -> memref<10240x64xf32, #tpu.memory_space<vmem_shared>>
      tpu.enqueue_indirect_dma source(%dma_start3A_719 : memref<80x64xf32, #tpu.memory_space<vmem>>) target(%dma_start3A_725 : memref<10240x64xf32, #tpu.memory_space<vmem_shared>>) offsets(%dma_start3A_722 : memref<80xi32, #tpu.memory_space<vmem>>) semaphore(%arg17 : memref<!tpu.dma_semaphore, #tpu.memory_space<semaphore_mem>>) {add = true}
      %mul3A_726 = arith.constant 5 : i32
      %mul3A_727 = arith.muli %scan3A_647, %mul3A_726 : i32
      %add3A_728 = arith.constant 3 : i32
      %add3A_729 = arith.addi %mul3A_727, %add3A_728 : i32
      %dma_wait3A_730 = arith.constant 3 : i32
      %dma_wait3A_731 = arith.constant 0 : i32
      %dma_wait3A_732 = arith.constant 0 : i32
      %dma_wait3A_733 = tpu.memref_slice %arg8[%dma_wait3A_730, %dma_wait3A_731, %dma_wait3A_732] : memref<5x80x64xf32, #tpu.memory_space<vmem>> -> memref<1x80x64xf32, #tpu.memory_space<vmem>>
      %dma_wait3A_734 = tpu.memref_squeeze %dma_wait3A_733 : memref<1x80x64xf32, #tpu.memory_space<vmem>> -> memref<80x64xf32, #tpu.memory_space<vmem>>
      %dma_wait3A_735 = arith.constant 0 : i32
      %dma_wait3A_736 = tpu.memref_slice %arg6[%add3A_729, %dma_wait3A_735] : memref<250x80xi32, #tpu.memory_space<vmem>> -> memref<1x80xi32, #tpu.memory_space<vmem>>
      %dma_wait3A_737 = tpu.memref_squeeze %dma_wait3A_736 : memref<1x80xi32, #tpu.memory_space<vmem>> -> memref<80xi32, #tpu.memory_space<vmem>>
      %dma_wait3A_738 = arith.constant 0 : i32
      %dma_wait3A_739 = arith.constant 0 : i32
      %dma_wait3A_740 = tpu.memref_slice %arg2[%dma_wait3A_738, %dma_wait3A_739] : memref<20000x64xf32, #tpu.memory_space<hbm>> -> memref<20000x64xf32, #tpu.memory_space<hbm>>
      tpu.wait_indirect_dma semaphore(%arg13 : memref<!tpu.dma_semaphore, #tpu.memory_space<semaphore_mem>>) src(%dma_wait3A_740 : memref<20000x64xf32, #tpu.memory_space<hbm>>) dst(%dma_wait3A_734 : memref<80x64xf32, #tpu.memory_space<vmem>>)
      %dma_start3A_741 = arith.constant 3 : i32
      %dma_start3A_742 = arith.constant 0 : i32
      %dma_start3A_743 = arith.constant 0 : i32
      %dma_start3A_744 = tpu.memref_slice %arg8[%dma_start3A_741, %dma_start3A_742, %dma_start3A_743] : memref<5x80x64xf32, #tpu.memory_space<vmem>> -> memref<1x80x64xf32, #tpu.memory_space<vmem>>
      %dma_start3A_745 = tpu.memref_squeeze %dma_start3A_744 : memref<1x80x64xf32, #tpu.memory_space<vmem>> -> memref<80x64xf32, #tpu.memory_space<vmem>>
      %dma_start3A_746 = arith.constant 0 : i32
      %dma_start3A_747 = tpu.memref_slice %arg7[%add3A_729, %dma_start3A_746] : memref<250x80xi32, #tpu.memory_space<vmem>> -> memref<1x80xi32, #tpu.memory_space<vmem>>
      %dma_start3A_748 = tpu.memref_squeeze %dma_start3A_747 : memref<1x80xi32, #tpu.memory_space<vmem>> -> memref<80xi32, #tpu.memory_space<vmem>>
      %dma_start3A_749 = arith.constant 0 : i32
      %dma_start3A_750 = arith.constant 0 : i32
      %dma_start3A_751 = tpu.memref_slice %arg9[%dma_start3A_749, %dma_start3A_750] : memref<10240x64xf32, #tpu.memory_space<vmem_shared>> -> memref<10240x64xf32, #tpu.memory_space<vmem_shared>>
      tpu.enqueue_indirect_dma source(%dma_start3A_745 : memref<80x64xf32, #tpu.memory_space<vmem>>) target(%dma_start3A_751 : memref<10240x64xf32, #tpu.memory_space<vmem_shared>>) offsets(%dma_start3A_748 : memref<80xi32, #tpu.memory_space<vmem>>) semaphore(%arg18 : memref<!tpu.dma_semaphore, #tpu.memory_space<semaphore_mem>>) {add = true}
      %mul3A_752 = arith.constant 5 : i32
      %mul3A_753 = arith.muli %scan3A_647, %mul3A_752 : i32
      %add3A_754 = arith.constant 4 : i32
      %add3A_755 = arith.addi %mul3A_753, %add3A_754 : i32
      %dma_wait3A_756 = arith.constant 4 : i32
      %dma_wait3A_757 = arith.constant 0 : i32
      %dma_wait3A_758 = arith.constant 0 : i32
      %dma_wait3A_759 = tpu.memref_slice %arg8[%dma_wait3A_756, %dma_wait3A_757, %dma_wait3A_758] : memref<5x80x64xf32, #tpu.memory_space<vmem>> -> memref<1x80x64xf32, #tpu.memory_space<vmem>>
      %dma_wait3A_760 = tpu.memref_squeeze %dma_wait3A_759 : memref<1x80x64xf32, #tpu.memory_space<vmem>> -> memref<80x64xf32, #tpu.memory_space<vmem>>
      %dma_wait3A_761 = arith.constant 0 : i32
      %dma_wait3A_762 = tpu.memref_slice %arg6[%add3A_755, %dma_wait3A_761] : memref<250x80xi32, #tpu.memory_space<vmem>> -> memref<1x80xi32, #tpu.memory_space<vmem>>
      %dma_wait3A_763 = tpu.memref_squeeze %dma_wait3A_762 : memref<1x80xi32, #tpu.memory_space<vmem>> -> memref<80xi32, #tpu.memory_space<vmem>>
      %dma_wait3A_764 = arith.constant 0 : i32
      %dma_wait3A_765 = arith.constant 0 : i32
      %dma_wait3A_766 = tpu.memref_slice %arg2[%dma_wait3A_764, %dma_wait3A_765] : memref<20000x64xf32, #tpu.memory_space<hbm>> -> memref<20000x64xf32, #tpu.memory_space<hbm>>
      tpu.wait_indirect_dma semaphore(%arg14 : memref<!tpu.dma_semaphore, #tpu.memory_space<semaphore_mem>>) src(%dma_wait3A_766 : memref<20000x64xf32, #tpu.memory_space<hbm>>) dst(%dma_wait3A_760 : memref<80x64xf32, #tpu.memory_space<vmem>>)
      %dma_start3A_767 = arith.constant 4 : i32
      %dma_start3A_768 = arith.constant 0 : i32
      %dma_start3A_769 = arith.constant 0 : i32
      %dma_start3A_770 = tpu.memref_slice %arg8[%dma_start3A_767, %dma_start3A_768, %dma_start3A_769] : memref<5x80x64xf32, #tpu.memory_space<vmem>> -> memref<1x80x64xf32, #tpu.memory_space<vmem>>
      %dma_start3A_771 = tpu.memref_squeeze %dma_start3A_770 : memref<1x80x64xf32, #tpu.memory_space<vmem>> -> memref<80x64xf32, #tpu.memory_space<vmem>>
      %dma_start3A_772 = arith.constant 0 : i32
      %dma_start3A_773 = tpu.memref_slice %arg7[%add3A_755, %dma_start3A_772] : memref<250x80xi32, #tpu.memory_space<vmem>> -> memref<1x80xi32, #tpu.memory_space<vmem>>
      %dma_start3A_774 = tpu.memref_squeeze %dma_start3A_773 : memref<1x80xi32, #tpu.memory_space<vmem>> -> memref<80xi32, #tpu.memory_space<vmem>>
      %dma_start3A_775 = arith.constant 0 : i32
      %dma_start3A_776 = arith.constant 0 : i32
      %dma_start3A_777 = tpu.memref_slice %arg9[%dma_start3A_775, %dma_start3A_776] : memref<10240x64xf32, #tpu.memory_space<vmem_shared>> -> memref<10240x64xf32, #tpu.memory_space<vmem_shared>>
      tpu.enqueue_indirect_dma source(%dma_start3A_771 : memref<80x64xf32, #tpu.memory_space<vmem>>) target(%dma_start3A_777 : memref<10240x64xf32, #tpu.memory_space<vmem_shared>>) offsets(%dma_start3A_774 : memref<80xi32, #tpu.memory_space<vmem>>) semaphore(%arg19 : memref<!tpu.dma_semaphore, #tpu.memory_space<semaphore_mem>>) {add = true}
      %mul3A_778 = arith.constant 5 : i32
      %mul3A_779 = arith.muli %scan3A_647, %mul3A_778 : i32
      %add3A_780 = arith.constant 0 : i32
      %add3A_781 = arith.addi %mul3A_779, %add3A_780 : i32
      %dma_wait3A_782 = arith.constant 0 : i32
      %dma_wait3A_783 = arith.constant 0 : i32
      %dma_wait3A_784 = arith.constant 0 : i32
      %dma_wait3A_785 = tpu.memref_slice %arg8[%dma_wait3A_782, %dma_wait3A_783, %dma_wait3A_784] : memref<5x80x64xf32, #tpu.memory_space<vmem>> -> memref<1x80x64xf32, #tpu.memory_space<vmem>>
      %dma_wait3A_786 = tpu.memref_squeeze %dma_wait3A_785 : memref<1x80x64xf32, #tpu.memory_space<vmem>> -> memref<80x64xf32, #tpu.memory_space<vmem>>
      %dma_wait3A_787 = arith.constant 0 : i32
      %dma_wait3A_788 = tpu.memref_slice %arg7[%add3A_781, %dma_wait3A_787] : memref<250x80xi32, #tpu.memory_space<vmem>> -> memref<1x80xi32, #tpu.memory_space<vmem>>
      %dma_wait3A_789 = tpu.memref_squeeze %dma_wait3A_788 : memref<1x80xi32, #tpu.memory_space<vmem>> -> memref<80xi32, #tpu.memory_space<vmem>>
      %dma_wait3A_790 = arith.constant 0 : i32
      %dma_wait3A_791 = arith.constant 0 : i32
      %dma_wait3A_792 = tpu.memref_slice %arg9[%dma_wait3A_790, %dma_wait3A_791] : memref<10240x64xf32, #tpu.memory_space<vmem_shared>> -> memref<10240x64xf32, #tpu.memory_space<vmem_shared>>
      tpu.wait_indirect_dma semaphore(%arg15 : memref<!tpu.dma_semaphore, #tpu.memory_space<semaphore_mem>>) src(%dma_wait3A_786 : memref<80x64xf32, #tpu.memory_space<vmem>>) dst(%dma_wait3A_792 : memref<10240x64xf32, #tpu.memory_space<vmem_shared>>)
      %add3A_793 = arith.constant 5 : i32
      %add3A_794 = arith.addi %add3A_781, %add3A_793 : i32
      %get3A_795 = arith.index_cast %add3A_794 : i32 to index
      %get3A_796 = arith.constant 0 : index
      %get3A_797 = tpu.vector_load %arg6[%get3A_795, %get3A_796] {strides = array<i32>} : memref<250x80xi32, #tpu.memory_space<vmem>>, vector<1x16xi32>,
      %get3A_798 = vector.shape_cast %get3A_797 : vector<1x16xi32> to vector<16xi32>
      %mul3A_799 = arith.constant 2 : i32
      %mul3A_800 = vector.broadcast %mul3A_799 : i32 to vector<16xi32>
      %mul3A_801 = arith.muli %get3A_798, %mul3A_800 : vector<16xi32>
      %add3A_802 = vector.broadcast %arg0 : i32 to vector<16xi32>
      %add3A_803 = arith.addi %mul3A_801, %add3A_802 : vector<16xi32>
      %swap3A_804 = arith.index_cast %add3A_794 : i32 to index
      %swap3A_805 = arith.constant 0 : index
      %swap3A_806 = tpu.vector_load %arg6[%swap3A_804, %swap3A_805] {strides = array<i32>} : memref<250x80xi32, #tpu.memory_space<vmem>>, vector<1x16xi32>,
      %swap3A_807 = vector.shape_cast %swap3A_806 : vector<1x16xi32> to vector<16xi32>
      %swap3A_808 = vector.shape_cast %add3A_803 : vector<16xi32> to vector<1x16xi32>
      tpu.vector_store %arg6[%swap3A_804, %swap3A_805], %swap3A_808 {strides = array<i32>} : memref<250x80xi32, #tpu.memory_space<vmem>>, vector<1x16xi32>,
      %get3A_809 = arith.index_cast %add3A_794 : i32 to index
      %get3A_810 = arith.constant 16 : index
      %get3A_811 = tpu.vector_load %arg6[%get3A_809, %get3A_810] {strides = array<i32>} : memref<250x80xi32, #tpu.memory_space<vmem>>, vector<1x16xi32>,
      %get3A_812 = vector.shape_cast %get3A_811 : vector<1x16xi32> to vector<16xi32>
      %mul3A_813 = arith.constant 2 : i32
      %mul3A_814 = vector.broadcast %mul3A_813 : i32 to vector<16xi32>
      %mul3A_815 = arith.muli %get3A_812, %mul3A_814 : vector<16xi32>
      %add3A_816 = vector.broadcast %arg0 : i32 to vector<16xi32>
      %add3A_817 = arith.addi %mul3A_815, %add3A_816 : vector<16xi32>
      %swap3A_818 = arith.index_cast %add3A_794 : i32 to index
      %swap3A_819 = arith.constant 16 : index
      %swap3A_820 = tpu.vector_load %arg6[%swap3A_818, %swap3A_819] {strides = array<i32>} : memref<250x80xi32, #tpu.memory_space<vmem>>, vector<1x16xi32>,
      %swap3A_821 = vector.shape_cast %swap3A_820 : vector<1x16xi32> to vector<16xi32>
      %swap3A_822 = vector.shape_cast %add3A_817 : vector<16xi32> to vector<1x16xi32>
      tpu.vector_store %arg6[%swap3A_818, %swap3A_819], %swap3A_822 {strides = array<i32>} : memref<250x80xi32, #tpu.memory_space<vmem>>, vector<1x16xi32>,
      %get3A_823 = arith.index_cast %add3A_794 : i32 to index
      %get3A_824 = arith.constant 32 : index
      %get3A_825 = tpu.vector_load %arg6[%get3A_823, %get3A_824] {strides = array<i32>} : memref<250x80xi32, #tpu.memory_space<vmem>>, vector<1x16xi32>,
      %get3A_826 = vector.shape_cast %get3A_825 : vector<1x16xi32> to vector<16xi32>
      %mul3A_827 = arith.constant 2 : i32
      %mul3A_828 = vector.broadcast %mul3A_827 : i32 to vector<16xi32>
      %mul3A_829 = arith.muli %get3A_826, %mul3A_828 : vector<16xi32>
      %add3A_830 = vector.broadcast %arg0 : i32 to vector<16xi32>
      %add3A_831 = arith.addi %mul3A_829, %add3A_830 : vector<16xi32>
      %swap3A_832 = arith.index_cast %add3A_794 : i32 to index
      %swap3A_833 = arith.constant 32 : index
      %swap3A_834 = tpu.vector_load %arg6[%swap3A_832, %swap3A_833] {strides = array<i32>} : memref<250x80xi32, #tpu.memory_space<vmem>>, vector<1x16xi32>,
      %swap3A_835 = vector.shape_cast %swap3A_834 : vector<1x16xi32> to vector<16xi32>
      %swap3A_836 = vector.shape_cast %add3A_831 : vector<16xi32> to vector<1x16xi32>
      tpu.vector_store %arg6[%swap3A_832, %swap3A_833], %swap3A_836 {strides = array<i32>} : memref<250x80xi32, #tpu.memory_space<vmem>>, vector<1x16xi32>,
      %get3A_837 = arith.index_cast %add3A_794 : i32 to index
      %get3A_838 = arith.constant 48 : index
      %get3A_839 = tpu.vector_load %arg6[%get3A_837, %get3A_838] {strides = array<i32>} : memref<250x80xi32, #tpu.memory_space<vmem>>, vector<1x16xi32>,
      %get3A_840 = vector.shape_cast %get3A_839 : vector<1x16xi32> to vector<16xi32>
      %mul3A_841 = arith.constant 2 : i32
      %mul3A_842 = vector.broadcast %mul3A_841 : i32 to vector<16xi32>
      %mul3A_843 = arith.muli %get3A_840, %mul3A_842 : vector<16xi32>
      %add3A_844 = vector.broadcast %arg0 : i32 to vector<16xi32>
      %add3A_845 = arith.addi %mul3A_843, %add3A_844 : vector<16xi32>
      %swap3A_846 = arith.index_cast %add3A_794 : i32 to index
      %swap3A_847 = arith.constant 48 : index
      %swap3A_848 = tpu.vector_load %arg6[%swap3A_846, %swap3A_847] {strides = array<i32>} : memref<250x80xi32, #tpu.memory_space<vmem>>, vector<1x16xi32>,
      %swap3A_849 = vector.shape_cast %swap3A_848 : vector<1x16xi32> to vector<16xi32>
      %swap3A_850 = vector.shape_cast %add3A_845 : vector<16xi32> to vector<1x16xi32>
      tpu.vector_store %arg6[%swap3A_846, %swap3A_847], %swap3A_850 {strides = array<i32>} : memref<250x80xi32, #tpu.memory_space<vmem>>, vector<1x16xi32>,
      %get3A_851 = arith.index_cast %add3A_794 : i32 to index
      %get3A_852 = arith.constant 64 : index
      %get3A_853 = tpu.vector_load %arg6[%get3A_851, %get3A_852] {strides = array<i32>} : memref<250x80xi32, #tpu.memory_space<vmem>>, vector<1x16xi32>,
      %get3A_854 = vector.shape_cast %get3A_853 : vector<1x16xi32> to vector<16xi32>
      %mul3A_855 = arith.constant 2 : i32
      %mul3A_856 = vector.broadcast %mul3A_855 : i32 to vector<16xi32>
      %mul3A_857 = arith.muli %get3A_854, %mul3A_856 : vector<16xi32>
      %add3A_858 = vector.broadcast %arg0 : i32 to vector<16xi32>
      %add3A_859 = arith.addi %mul3A_857, %add3A_858 : vector<16xi32>
      %swap3A_860 = arith.index_cast %add3A_794 : i32 to index
      %swap3A_861 = arith.constant 64 : index
      %swap3A_862 = tpu.vector_load %arg6[%swap3A_860, %swap3A_861] {strides = array<i32>} : memref<250x80xi32, #tpu.memory_space<vmem>>, vector<1x16xi32>,
      %swap3A_863 = vector.shape_cast %swap3A_862 : vector<1x16xi32> to vector<16xi32>
      %swap3A_864 = vector.shape_cast %add3A_859 : vector<16xi32> to vector<1x16xi32>
      tpu.vector_store %arg6[%swap3A_860, %swap3A_861], %swap3A_864 {strides = array<i32>} : memref<250x80xi32, #tpu.memory_space<vmem>>, vector<1x16xi32>,
      %dma_start3A_865 = arith.constant 0 : i32
      %dma_start3A_866 = arith.constant 0 : i32
      %dma_start3A_867 = arith.constant 0 : i32
      %dma_start3A_868 = tpu.memref_slice %arg8[%dma_start3A_865, %dma_start3A_866, %dma_start3A_867] : memref<5x80x64xf32, #tpu.memory_space<vmem>> -> memref<1x80x64xf32, #tpu.memory_space<vmem>>
      %dma_start3A_869 = tpu.memref_squeeze %dma_start3A_868 : memref<1x80x64xf32, #tpu.memory_space<vmem>> -> memref<80x64xf32, #tpu.memory_space<vmem>>
      %dma_start3A_870 = arith.constant 0 : i32
      %dma_start3A_871 = tpu.memref_slice %arg6[%add3A_794, %dma_start3A_870] : memref<250x80xi32, #tpu.memory_space<vmem>> -> memref<1x80xi32, #tpu.memory_space<vmem>>
      %dma_start3A_872 = tpu.memref_squeeze %dma_start3A_871 : memref<1x80xi32, #tpu.memory_space<vmem>> -> memref<80xi32, #tpu.memory_space<vmem>>
      %dma_start3A_873 = arith.constant 0 : i32
      %dma_start3A_874 = arith.constant 0 : i32
      %dma_start3A_875 = tpu.memref_slice %arg2[%dma_start3A_873, %dma_start3A_874] : memref<20000x64xf32, #tpu.memory_space<hbm>> -> memref<20000x64xf32, #tpu.memory_space<hbm>>
      tpu.enqueue_indirect_dma source(%dma_start3A_875 : memref<20000x64xf32, #tpu.memory_space<hbm>>) target(%dma_start3A_869 : memref<80x64xf32, #tpu.memory_space<vmem>>) offsets(%dma_start3A_872 : memref<80xi32, #tpu.memory_space<vmem>>) semaphore(%arg10 : memref<!tpu.dma_semaphore, #tpu.memory_space<semaphore_mem>>)
      %mul3A_876 = arith.constant 5 : i32
      %mul3A_877 = arith.muli %scan3A_647, %mul3A_876 : i32
      %add3A_878 = arith.constant 1 : i32
      %add3A_879 = arith.addi %mul3A_877, %add3A_878 : i32
      %dma_wait3A_880 = arith.constant 1 : i32
      %dma_wait3A_881 = arith.constant 0 : i32
      %dma_wait3A_882 = arith.constant 0 : i32
      %dma_wait3A_883 = tpu.memref_slice %arg8[%dma_wait3A_880, %dma_wait3A_881, %dma_wait3A_882] : memref<5x80x64xf32, #tpu.memory_space<vmem>> -> memref<1x80x64xf32, #tpu.memory_space<vmem>>
      %dma_wait3A_884 = tpu.memref_squeeze %dma_wait3A_883 : memref<1x80x64xf32, #tpu.memory_space<vmem>> -> memref<80x64xf32, #tpu.memory_space<vmem>>
      %dma_wait3A_885 = arith.constant 0 : i32
      %dma_wait3A_886 = tpu.memref_slice %arg7[%add3A_879, %dma_wait3A_885] : memref<250x80xi32, #tpu.memory_space<vmem>> -> memref<1x80xi32, #tpu.memory_space<vmem>>
      %dma_wait3A_887 = tpu.memref_squeeze %dma_wait3A_886 : memref<1x80xi32, #tpu.memory_space<vmem>> -> memref<80xi32, #tpu.memory_space<vmem>>
      %dma_wait3A_888 = arith.constant 0 : i32
      %dma_wait3A_889 = arith.constant 0 : i32
      %dma_wait3A_890 = tpu.memref_slice %arg9[%dma_wait3A_888, %dma_wait3A_889] : memref<10240x64xf32, #tpu.memory_space<vmem_shared>> -> memref<10240x64xf32, #tpu.memory_space<vmem_shared>>
      tpu.wait_indirect_dma semaphore(%arg16 : memref<!tpu.dma_semaphore, #tpu.memory_space<semaphore_mem>>) src(%dma_wait3A_884 : memref<80x64xf32, #tpu.memory_space<vmem>>) dst(%dma_wait3A_890 : memref<10240x64xf32, #tpu.memory_space<vmem_shared>>)
      %add3A_891 = arith.constant 5 : i32
      %add3A_892 = arith.addi %add3A_879, %add3A_891 : i32
      %get3A_893 = arith.index_cast %add3A_892 : i32 to index
      %get3A_894 = arith.constant 0 : index
      %get3A_895 = tpu.vector_load %arg6[%get3A_893, %get3A_894] {strides = array<i32>} : memref<250x80xi32, #tpu.memory_space<vmem>>, vector<1x16xi32>,
      %get3A_896 = vector.shape_cast %get3A_895 : vector<1x16xi32> to vector<16xi32>
      %mul3A_897 = arith.constant 2 : i32
      %mul3A_898 = vector.broadcast %mul3A_897 : i32 to vector<16xi32>
      %mul3A_899 = arith.muli %get3A_896, %mul3A_898 : vector<16xi32>
      %add3A_900 = vector.broadcast %arg0 : i32 to vector<16xi32>
      %add3A_901 = arith.addi %mul3A_899, %add3A_900 : vector<16xi32>
      %swap3A_902 = arith.index_cast %add3A_892 : i32 to index
      %swap3A_903 = arith.constant 0 : index
      %swap3A_904 = tpu.vector_load %arg6[%swap3A_902, %swap3A_903] {strides = array<i32>} : memref<250x80xi32, #tpu.memory_space<vmem>>, vector<1x16xi32>,
      %swap3A_905 = vector.shape_cast %swap3A_904 : vector<1x16xi32> to vector<16xi32>
      %swap3A_906 = vector.shape_cast %add3A_901 : vector<16xi32> to vector<1x16xi32>
      tpu.vector_store %arg6[%swap3A_902, %swap3A_903], %swap3A_906 {strides = array<i32>} : memref<250x80xi32, #tpu.memory_space<vmem>>, vector<1x16xi32>,
      %get3A_907 = arith.index_cast %add3A_892 : i32 to index
      %get3A_908 = arith.constant 16 : index
      %get3A_909 = tpu.vector_load %arg6[%get3A_907, %get3A_908] {strides = array<i32>} : memref<250x80xi32, #tpu.memory_space<vmem>>, vector<1x16xi32>,
      %get3A_910 = vector.shape_cast %get3A_909 : vector<1x16xi32> to vector<16xi32>
      %mul3A_911 = arith.constant 2 : i32
      %mul3A_912 = vector.broadcast %mul3A_911 : i32 to vector<16xi32>
      %mul3A_913 = arith.muli %get3A_910, %mul3A_912 : vector<16xi32>
      %add3A_914 = vector.broadcast %arg0 : i32 to vector<16xi32>
      %add3A_915 = arith.addi %mul3A_913, %add3A_914 : vector<16xi32>
      %swap3A_916 = arith.index_cast %add3A_892 : i32 to index
      %swap3A_917 = arith.constant 16 : index
      %swap3A_918 = tpu.vector_load %arg6[%swap3A_916, %swap3A_917] {strides = array<i32>} : memref<250x80xi32, #tpu.memory_space<vmem>>, vector<1x16xi32>,
      %swap3A_919 = vector.shape_cast %swap3A_918 : vector<1x16xi32> to vector<16xi32>
      %swap3A_920 = vector.shape_cast %add3A_915 : vector<16xi32> to vector<1x16xi32>
      tpu.vector_store %arg6[%swap3A_916, %swap3A_917], %swap3A_920 {strides = array<i32>} : memref<250x80xi32, #tpu.memory_space<vmem>>, vector<1x16xi32>,
      %get3A_921 = arith.index_cast %add3A_892 : i32 to index
      %get3A_922 = arith.constant 32 : index
      %get3A_923 = tpu.vector_load %arg6[%get3A_921, %get3A_922] {strides = array<i32>} : memref<250x80xi32, #tpu.memory_space<vmem>>, vector<1x16xi32>,
      %get3A_924 = vector.shape_cast %get3A_923 : vector<1x16xi32> to vector<16xi32>
      %mul3A_925 = arith.constant 2 : i32
      %mul3A_926 = vector.broadcast %mul3A_925 : i32 to vector<16xi32>
      %mul3A_927 = arith.muli %get3A_924, %mul3A_926 : vector<16xi32>
      %add3A_928 = vector.broadcast %arg0 : i32 to vector<16xi32>
      %add3A_929 = arith.addi %mul3A_927, %add3A_928 : vector<16xi32>
      %swap3A_930 = arith.index_cast %add3A_892 : i32 to index
      %swap3A_931 = arith.constant 32 : index
      %swap3A_932 = tpu.vector_load %arg6[%swap3A_930, %swap3A_931] {strides = array<i32>} : memref<250x80xi32, #tpu.memory_space<vmem>>, vector<1x16xi32>,
      %swap3A_933 = vector.shape_cast %swap3A_932 : vector<1x16xi32> to vector<16xi32>
      %swap3A_934 = vector.shape_cast %add3A_929 : vector<16xi32> to vector<1x16xi32>
      tpu.vector_store %arg6[%swap3A_930, %swap3A_931], %swap3A_934 {strides = array<i32>} : memref<250x80xi32, #tpu.memory_space<vmem>>, vector<1x16xi32>,
      %get3A_935 = arith.index_cast %add3A_892 : i32 to index
      %get3A_936 = arith.constant 48 : index
      %get3A_937 = tpu.vector_load %arg6[%get3A_935, %get3A_936] {strides = array<i32>} : memref<250x80xi32, #tpu.memory_space<vmem>>, vector<1x16xi32>,
      %get3A_938 = vector.shape_cast %get3A_937 : vector<1x16xi32> to vector<16xi32>
      %mul3A_939 = arith.constant 2 : i32
      %mul3A_940 = vector.broadcast %mul3A_939 : i32 to vector<16xi32>
      %mul3A_941 = arith.muli %get3A_938, %mul3A_940 : vector<16xi32>
      %add3A_942 = vector.broadcast %arg0 : i32 to vector<16xi32>
      %add3A_943 = arith.addi %mul3A_941, %add3A_942 : vector<16xi32>
      %swap3A_944 = arith.index_cast %add3A_892 : i32 to index
      %swap3A_945 = arith.constant 48 : index
      %swap3A_946 = tpu.vector_load %arg6[%swap3A_944, %swap3A_945] {strides = array<i32>} : memref<250x80xi32, #tpu.memory_space<vmem>>, vector<1x16xi32>,
      %swap3A_947 = vector.shape_cast %swap3A_946 : vector<1x16xi32> to vector<16xi32>
      %swap3A_948 = vector.shape_cast %add3A_943 : vector<16xi32> to vector<1x16xi32>
      tpu.vector_store %arg6[%swap3A_944, %swap3A_945], %swap3A_948 {strides = array<i32>} : memref<250x80xi32, #tpu.memory_space<vmem>>, vector<1x16xi32>,
      %get3A_949 = arith.index_cast %add3A_892 : i32 to index
      %get3A_950 = arith.constant 64 : index
      %get3A_951 = tpu.vector_load %arg6[%get3A_949, %get3A_950] {strides = array<i32>} : memref<250x80xi32, #tpu.memory_space<vmem>>, vector<1x16xi32>,
      %get3A_952 = vector.shape_cast %get3A_951 : vector<1x16xi32> to vector<16xi32>
      %mul3A_953 = arith.constant 2 : i32
      %mul3A_954 = vector.broadcast %mul3A_953 : i32 to vector<16xi32>
      %mul3A_955 = arith.muli %get3A_952, %mul3A_954 : vector<16xi32>
      %add3A_956 = vector.broadcast %arg0 : i32 to vector<16xi32>
      %add3A_957 = arith.addi %mul3A_955, %add3A_956 : vector<16xi32>
      %swap3A_958 = arith.index_cast %add3A_892 : i32 to index
      %swap3A_959 = arith.constant 64 : index
      %swap3A_960 = tpu.vector_load %arg6[%swap3A_958, %swap3A_959] {strides = array<i32>} : memref<250x80xi32, #tpu.memory_space<vmem>>, vector<1x16xi32>,
      %swap3A_961 = vector.shape_cast %swap3A_960 : vector<1x16xi32> to vector<16xi32>
      %swap3A_962 = vector.shape_cast %add3A_957 : vector<16xi32> to vector<1x16xi32>
      tpu.vector_store %arg6[%swap3A_958, %swap3A_959], %swap3A_962 {strides = array<i32>} : memref<250x80xi32, #tpu.memory_space<vmem>>, vector<1x16xi32>,
      %dma_start3A_963 = arith.constant 1 : i32
      %dma_start3A_964 = arith.constant 0 : i32
      %dma_start3A_965 = arith.constant 0 : i32
      %dma_start3A_966 = tpu.memref_slice %arg8[%dma_start3A_963, %dma_start3A_964, %dma_start3A_965] : memref<5x80x64xf32, #tpu.memory_space<vmem>> -> memref<1x80x64xf32, #tpu.memory_space<vmem>>
      %dma_start3A_967 = tpu.memref_squeeze %dma_start3A_966 : memref<1x80x64xf32, #tpu.memory_space<vmem>> -> memref<80x64xf32, #tpu.memory_space<vmem>>
      %dma_start3A_968 = arith.constant 0 : i32
      %dma_start3A_969 = tpu.memref_slice %arg6[%add3A_892, %dma_start3A_968] : memref<250x80xi32, #tpu.memory_space<vmem>> -> memref<1x80xi32, #tpu.memory_space<vmem>>
      %dma_start3A_970 = tpu.memref_squeeze %dma_start3A_969 : memref<1x80xi32, #tpu.memory_space<vmem>> -> memref<80xi32, #tpu.memory_space<vmem>>
      %dma_start3A_971 = arith.constant 0 : i32
      %dma_start3A_972 = arith.constant 0 : i32
      %dma_start3A_973 = tpu.memref_slice %arg2[%dma_start3A_971, %dma_start3A_972] : memref<20000x64xf32, #tpu.memory_space<hbm>> -> memref<20000x64xf32, #tpu.memory_space<hbm>>
      tpu.enqueue_indirect_dma source(%dma_start3A_973 : memref<20000x64xf32, #tpu.memory_space<hbm>>) target(%dma_start3A_967 : memref<80x64xf32, #tpu.memory_space<vmem>>) offsets(%dma_start3A_970 : memref<80xi32, #tpu.memory_space<vmem>>) semaphore(%arg11 : memref<!tpu.dma_semaphore, #tpu.memory_space<semaphore_mem>>)
      %mul3A_974 = arith.constant 5 : i32
      %mul3A_975 = arith.muli %scan3A_647, %mul3A_974 : i32
      %add3A_976 = arith.constant 2 : i32
      %add3A_977 = arith.addi %mul3A_975, %add3A_976 : i32
      %dma_wait3A_978 = arith.constant 2 : i32
      %dma_wait3A_979 = arith.constant 0 : i32
      %dma_wait3A_980 = arith.constant 0 : i32
      %dma_wait3A_981 = tpu.memref_slice %arg8[%dma_wait3A_978, %dma_wait3A_979, %dma_wait3A_980] : memref<5x80x64xf32, #tpu.memory_space<vmem>> -> memref<1x80x64xf32, #tpu.memory_space<vmem>>
      %dma_wait3A_982 = tpu.memref_squeeze %dma_wait3A_981 : memref<1x80x64xf32, #tpu.memory_space<vmem>> -> memref<80x64xf32, #tpu.memory_space<vmem>>
      %dma_wait3A_983 = arith.constant 0 : i32
      %dma_wait3A_984 = tpu.memref_slice %arg7[%add3A_977, %dma_wait3A_983] : memref<250x80xi32, #tpu.memory_space<vmem>> -> memref<1x80xi32, #tpu.memory_space<vmem>>
      %dma_wait3A_985 = tpu.memref_squeeze %dma_wait3A_984 : memref<1x80xi32, #tpu.memory_space<vmem>> -> memref<80xi32, #tpu.memory_space<vmem>>
      %dma_wait3A_986 = arith.constant 0 : i32
      %dma_wait3A_987 = arith.constant 0 : i32
      %dma_wait3A_988 = tpu.memref_slice %arg9[%dma_wait3A_986, %dma_wait3A_987] : memref<10240x64xf32, #tpu.memory_space<vmem_shared>> -> memref<10240x64xf32, #tpu.memory_space<vmem_shared>>
      tpu.wait_indirect_dma semaphore(%arg17 : memref<!tpu.dma_semaphore, #tpu.memory_space<semaphore_mem>>) src(%dma_wait3A_982 : memref<80x64xf32, #tpu.memory_space<vmem>>) dst(%dma_wait3A_988 : memref<10240x64xf32, #tpu.memory_space<vmem_shared>>)
      %add3A_989 = arith.constant 5 : i32
      %add3A_990 = arith.addi %add3A_977, %add3A_989 : i32
      %get3A_991 = arith.index_cast %add3A_990 : i32 to index
      %get3A_992 = arith.constant 0 : index
      %get3A_993 = tpu.vector_load %arg6[%get3A_991, %get3A_992] {strides = array<i32>} : memref<250x80xi32, #tpu.memory_space<vmem>>, vector<1x16xi32>,
      %get3A_994 = vector.shape_cast %get3A_993 : vector<1x16xi32> to vector<16xi32>
      %mul3A_995 = arith.constant 2 : i32
      %mul3A_996 = vector.broadcast %mul3A_995 : i32 to vector<16xi32>
      %mul3A_997 = arith.muli %get3A_994, %mul3A_996 : vector<16xi32>
      %add3A_998 = vector.broadcast %arg0 : i32 to vector<16xi32>
      %add3A_999 = arith.addi %mul3A_997, %add3A_998 : vector<16xi32>
      %swap3A_1000 = arith.index_cast %add3A_990 : i32 to index
      %swap3A_1001 = arith.constant 0 : index
      %swap3A_1002 = tpu.vector_load %arg6[%swap3A_1000, %swap3A_1001] {strides = array<i32>} : memref<250x80xi32, #tpu.memory_space<vmem>>, vector<1x16xi32>,
      %swap3A_1003 = vector.shape_cast %swap3A_1002 : vector<1x16xi32> to vector<16xi32>
      %swap3A_1004 = vector.shape_cast %add3A_999 : vector<16xi32> to vector<1x16xi32>
      tpu.vector_store %arg6[%swap3A_1000, %swap3A_1001], %swap3A_1004 {strides = array<i32>} : memref<250x80xi32, #tpu.memory_space<vmem>>, vector<1x16xi32>,
      %get3A_1005 = arith.index_cast %add3A_990 : i32 to index
      %get3A_1006 = arith.constant 16 : index
      %get3A_1007 = tpu.vector_load %arg6[%get3A_1005, %get3A_1006] {strides = array<i32>} : memref<250x80xi32, #tpu.memory_space<vmem>>, vector<1x16xi32>,
      %get3A_1008 = vector.shape_cast %get3A_1007 : vector<1x16xi32> to vector<16xi32>
      %mul3A_1009 = arith.constant 2 : i32
      %mul3A_1010 = vector.broadcast %mul3A_1009 : i32 to vector<16xi32>
      %mul3A_1011 = arith.muli %get3A_1008, %mul3A_1010 : vector<16xi32>
      %add3A_1012 = vector.broadcast %arg0 : i32 to vector<16xi32>
      %add3A_1013 = arith.addi %mul3A_1011, %add3A_1012 : vector<16xi32>
      %swap3A_1014 = arith.index_cast %add3A_990 : i32 to index
      %swap3A_1015 = arith.constant 16 : index
      %swap3A_1016 = tpu.vector_load %arg6[%swap3A_1014, %swap3A_1015] {strides = array<i32>} : memref<250x80xi32, #tpu.memory_space<vmem>>, vector<1x16xi32>,
      %swap3A_1017 = vector.shape_cast %swap3A_1016 : vector<1x16xi32> to vector<16xi32>
      %swap3A_1018 = vector.shape_cast %add3A_1013 : vector<16xi32> to vector<1x16xi32>
      tpu.vector_store %arg6[%swap3A_1014, %swap3A_1015], %swap3A_1018 {strides = array<i32>} : memref<250x80xi32, #tpu.memory_space<vmem>>, vector<1x16xi32>,
      %get3A_1019 = arith.index_cast %add3A_990 : i32 to index
      %get3A_1020 = arith.constant 32 : index
      %get3A_1021 = tpu.vector_load %arg6[%get3A_1019, %get3A_1020] {strides = array<i32>} : memref<250x80xi32, #tpu.memory_space<vmem>>, vector<1x16xi32>,
      %get3A_1022 = vector.shape_cast %get3A_1021 : vector<1x16xi32> to vector<16xi32>
      %mul3A_1023 = arith.constant 2 : i32
      %mul3A_1024 = vector.broadcast %mul3A_1023 : i32 to vector<16xi32>
      %mul3A_1025 = arith.muli %get3A_1022, %mul3A_1024 : vector<16xi32>
      %add3A_1026 = vector.broadcast %arg0 : i32 to vector<16xi32>
      %add3A_1027 = arith.addi %mul3A_1025, %add3A_1026 : vector<16xi32>
      %swap3A_1028 = arith.index_cast %add3A_990 : i32 to index
      %swap3A_1029 = arith.constant 32 : index
      %swap3A_1030 = tpu.vector_load %arg6[%swap3A_1028, %swap3A_1029] {strides = array<i32>} : memref<250x80xi32, #tpu.memory_space<vmem>>, vector<1x16xi32>,
      %swap3A_1031 = vector.shape_cast %swap3A_1030 : vector<1x16xi32> to vector<16xi32>
      %swap3A_1032 = vector.shape_cast %add3A_1027 : vector<16xi32> to vector<1x16xi32>
      tpu.vector_store %arg6[%swap3A_1028, %swap3A_1029], %swap3A_1032 {strides = array<i32>} : memref<250x80xi32, #tpu.memory_space<vmem>>, vector<1x16xi32>,
      %get3A_1033 = arith.index_cast %add3A_990 : i32 to index
      %get3A_1034 = arith.constant 48 : index
      %get3A_1035 = tpu.vector_load %arg6[%get3A_1033, %get3A_1034] {strides = array<i32>} : memref<250x80xi32, #tpu.memory_space<vmem>>, vector<1x16xi32>,
      %get3A_1036 = vector.shape_cast %get3A_1035 : vector<1x16xi32> to vector<16xi32>
      %mul3A_1037 = arith.constant 2 : i32
      %mul3A_1038 = vector.broadcast %mul3A_1037 : i32 to vector<16xi32>
      %mul3A_1039 = arith.muli %get3A_1036, %mul3A_1038 : vector<16xi32>
      %add3A_1040 = vector.broadcast %arg0 : i32 to vector<16xi32>
      %add3A_1041 = arith.addi %mul3A_1039, %add3A_1040 : vector<16xi32>
      %swap3A_1042 = arith.index_cast %add3A_990 : i32 to index
      %swap3A_1043 = arith.constant 48 : index
      %swap3A_1044 = tpu.vector_load %arg6[%swap3A_1042, %swap3A_1043] {strides = array<i32>} : memref<250x80xi32, #tpu.memory_space<vmem>>, vector<1x16xi32>,
      %swap3A_1045 = vector.shape_cast %swap3A_1044 : vector<1x16xi32> to vector<16xi32>
      %swap3A_1046 = vector.shape_cast %add3A_1041 : vector<16xi32> to vector<1x16xi32>
      tpu.vector_store %arg6[%swap3A_1042, %swap3A_1043], %swap3A_1046 {strides = array<i32>} : memref<250x80xi32, #tpu.memory_space<vmem>>, vector<1x16xi32>,
      %get3A_1047 = arith.index_cast %add3A_990 : i32 to index
      %get3A_1048 = arith.constant 64 : index
      %get3A_1049 = tpu.vector_load %arg6[%get3A_1047, %get3A_1048] {strides = array<i32>} : memref<250x80xi32, #tpu.memory_space<vmem>>, vector<1x16xi32>,
      %get3A_1050 = vector.shape_cast %get3A_1049 : vector<1x16xi32> to vector<16xi32>
      %mul3A_1051 = arith.constant 2 : i32
      %mul3A_1052 = vector.broadcast %mul3A_1051 : i32 to vector<16xi32>
      %mul3A_1053 = arith.muli %get3A_1050, %mul3A_1052 : vector<16xi32>
      %add3A_1054 = vector.broadcast %arg0 : i32 to vector<16xi32>
      %add3A_1055 = arith.addi %mul3A_1053, %add3A_1054 : vector<16xi32>
      %swap3A_1056 = arith.index_cast %add3A_990 : i32 to index
      %swap3A_1057 = arith.constant 64 : index
      %swap3A_1058 = tpu.vector_load %arg6[%swap3A_1056, %swap3A_1057] {strides = array<i32>} : memref<250x80xi32, #tpu.memory_space<vmem>>, vector<1x16xi32>,
      %swap3A_1059 = vector.shape_cast %swap3A_1058 : vector<1x16xi32> to vector<16xi32>
      %swap3A_1060 = vector.shape_cast %add3A_1055 : vector<16xi32> to vector<1x16xi32>
      tpu.vector_store %arg6[%swap3A_1056, %swap3A_1057], %swap3A_1060 {strides = array<i32>} : memref<250x80xi32, #tpu.memory_space<vmem>>, vector<1x16xi32>,
      %dma_start3A_1061 = arith.constant 2 : i32
      %dma_start3A_1062 = arith.constant 0 : i32
      %dma_start3A_1063 = arith.constant 0 : i32
      %dma_start3A_1064 = tpu.memref_slice %arg8[%dma_start3A_1061, %dma_start3A_1062, %dma_start3A_1063] : memref<5x80x64xf32, #tpu.memory_space<vmem>> -> memref<1x80x64xf32, #tpu.memory_space<vmem>>
      %dma_start3A_1065 = tpu.memref_squeeze %dma_start3A_1064 : memref<1x80x64xf32, #tpu.memory_space<vmem>> -> memref<80x64xf32, #tpu.memory_space<vmem>>
      %dma_start3A_1066 = arith.constant 0 : i32
      %dma_start3A_1067 = tpu.memref_slice %arg6[%add3A_990, %dma_start3A_1066] : memref<250x80xi32, #tpu.memory_space<vmem>> -> memref<1x80xi32, #tpu.memory_space<vmem>>
      %dma_start3A_1068 = tpu.memref_squeeze %dma_start3A_1067 : memref<1x80xi32, #tpu.memory_space<vmem>> -> memref<80xi32, #tpu.memory_space<vmem>>
      %dma_start3A_1069 = arith.constant 0 : i32
      %dma_start3A_1070 = arith.constant 0 : i32
      %dma_start3A_1071 = tpu.memref_slice %arg2[%dma_start3A_1069, %dma_start3A_1070] : memref<20000x64xf32, #tpu.memory_space<hbm>> -> memref<20000x64xf32, #tpu.memory_space<hbm>>
      tpu.enqueue_indirect_dma source(%dma_start3A_1071 : memref<20000x64xf32, #tpu.memory_space<hbm>>) target(%dma_start3A_1065 : memref<80x64xf32, #tpu.memory_space<vmem>>) offsets(%dma_start3A_1068 : memref<80xi32, #tpu.memory_space<vmem>>) semaphore(%arg12 : memref<!tpu.dma_semaphore, #tpu.memory_space<semaphore_mem>>)
      %mul3A_1072 = arith.constant 5 : i32
      %mul3A_1073 = arith.muli %scan3A_647, %mul3A_1072 : i32
      %add3A_1074 = arith.constant 3 : i32
      %add3A_1075 = arith.addi %mul3A_1073, %add3A_1074 : i32
      %dma_wait3A_1076 = arith.constant 3 : i32
      %dma_wait3A_1077 = arith.constant 0 : i32
      %dma_wait3A_1078 = arith.constant 0 : i32
      %dma_wait3A_1079 = tpu.memref_slice %arg8[%dma_wait3A_1076, %dma_wait3A_1077, %dma_wait3A_1078] : memref<5x80x64xf32, #tpu.memory_space<vmem>> -> memref<1x80x64xf32, #tpu.memory_space<vmem>>
      %dma_wait3A_1080 = tpu.memref_squeeze %dma_wait3A_1079 : memref<1x80x64xf32, #tpu.memory_space<vmem>> -> memref<80x64xf32, #tpu.memory_space<vmem>>
      %dma_wait3A_1081 = arith.constant 0 : i32
      %dma_wait3A_1082 = tpu.memref_slice %arg7[%add3A_1075, %dma_wait3A_1081] : memref<250x80xi32, #tpu.memory_space<vmem>> -> memref<1x80xi32, #tpu.memory_space<vmem>>
      %dma_wait3A_1083 = tpu.memref_squeeze %dma_wait3A_1082 : memref<1x80xi32, #tpu.memory_space<vmem>> -> memref<80xi32, #tpu.memory_space<vmem>>
      %dma_wait3A_1084 = arith.constant 0 : i32
      %dma_wait3A_1085 = arith.constant 0 : i32
      %dma_wait3A_1086 = tpu.memref_slice %arg9[%dma_wait3A_1084, %dma_wait3A_1085] : memref<10240x64xf32, #tpu.memory_space<vmem_shared>> -> memref<10240x64xf32, #tpu.memory_space<vmem_shared>>
      tpu.wait_indirect_dma semaphore(%arg18 : memref<!tpu.dma_semaphore, #tpu.memory_space<semaphore_mem>>) src(%dma_wait3A_1080 : memref<80x64xf32, #tpu.memory_space<vmem>>) dst(%dma_wait3A_1086 : memref<10240x64xf32, #tpu.memory_space<vmem_shared>>)
      %add3A_1087 = arith.constant 5 : i32
      %add3A_1088 = arith.addi %add3A_1075, %add3A_1087 : i32
      %get3A_1089 = arith.index_cast %add3A_1088 : i32 to index
      %get3A_1090 = arith.constant 0 : index
      %get3A_1091 = tpu.vector_load %arg6[%get3A_1089, %get3A_1090] {strides = array<i32>} : memref<250x80xi32, #tpu.memory_space<vmem>>, vector<1x16xi32>,
      %get3A_1092 = vector.shape_cast %get3A_1091 : vector<1x16xi32> to vector<16xi32>
      %mul3A_1093 = arith.constant 2 : i32
      %mul3A_1094 = vector.broadcast %mul3A_1093 : i32 to vector<16xi32>
      %mul3A_1095 = arith.muli %get3A_1092, %mul3A_1094 : vector<16xi32>
      %add3A_1096 = vector.broadcast %arg0 : i32 to vector<16xi32>
      %add3A_1097 = arith.addi %mul3A_1095, %add3A_1096 : vector<16xi32>
      %swap3A_1098 = arith.index_cast %add3A_1088 : i32 to index
      %swap3A_1099 = arith.constant 0 : index
      %swap3A_1100 = tpu.vector_load %arg6[%swap3A_1098, %swap3A_1099] {strides = array<i32>} : memref<250x80xi32, #tpu.memory_space<vmem>>, vector<1x16xi32>,
      %swap3A_1101 = vector.shape_cast %swap3A_1100 : vector<1x16xi32> to vector<16xi32>
      %swap3A_1102 = vector.shape_cast %add3A_1097 : vector<16xi32> to vector<1x16xi32>
      tpu.vector_store %arg6[%swap3A_1098, %swap3A_1099], %swap3A_1102 {strides = array<i32>} : memref<250x80xi32, #tpu.memory_space<vmem>>, vector<1x16xi32>,
      %get3A_1103 = arith.index_cast %add3A_1088 : i32 to index
      %get3A_1104 = arith.constant 16 : index
      %get3A_1105 = tpu.vector_load %arg6[%get3A_1103, %get3A_1104] {strides = array<i32>} : memref<250x80xi32, #tpu.memory_space<vmem>>, vector<1x16xi32>,
      %get3A_1106 = vector.shape_cast %get3A_1105 : vector<1x16xi32> to vector<16xi32>
      %mul3A_1107 = arith.constant 2 : i32
      %mul3A_1108 = vector.broadcast %mul3A_1107 : i32 to vector<16xi32>
      %mul3A_1109 = arith.muli %get3A_1106, %mul3A_1108 : vector<16xi32>
      %add3A_1110 = vector.broadcast %arg0 : i32 to vector<16xi32>
      %add3A_1111 = arith.addi %mul3A_1109, %add3A_1110 : vector<16xi32>
      %swap3A_1112 = arith.index_cast %add3A_1088 : i32 to index
      %swap3A_1113 = arith.constant 16 : index
      %swap3A_1114 = tpu.vector_load %arg6[%swap3A_1112, %swap3A_1113] {strides = array<i32>} : memref<250x80xi32, #tpu.memory_space<vmem>>, vector<1x16xi32>,
      %swap3A_1115 = vector.shape_cast %swap3A_1114 : vector<1x16xi32> to vector<16xi32>
      %swap3A_1116 = vector.shape_cast %add3A_1111 : vector<16xi32> to vector<1x16xi32>
      tpu.vector_store %arg6[%swap3A_1112, %swap3A_1113], %swap3A_1116 {strides = array<i32>} : memref<250x80xi32, #tpu.memory_space<vmem>>, vector<1x16xi32>,
      %get3A_1117 = arith.index_cast %add3A_1088 : i32 to index
      %get3A_1118 = arith.constant 32 : index
      %get3A_1119 = tpu.vector_load %arg6[%get3A_1117, %get3A_1118] {strides = array<i32>} : memref<250x80xi32, #tpu.memory_space<vmem>>, vector<1x16xi32>,
      %get3A_1120 = vector.shape_cast %get3A_1119 : vector<1x16xi32> to vector<16xi32>
      %mul3A_1121 = arith.constant 2 : i32
      %mul3A_1122 = vector.broadcast %mul3A_1121 : i32 to vector<16xi32>
      %mul3A_1123 = arith.muli %get3A_1120, %mul3A_1122 : vector<16xi32>
      %add3A_1124 = vector.broadcast %arg0 : i32 to vector<16xi32>
      %add3A_1125 = arith.addi %mul3A_1123, %add3A_1124 : vector<16xi32>
      %swap3A_1126 = arith.index_cast %add3A_1088 : i32 to index
      %swap3A_1127 = arith.constant 32 : index
      %swap3A_1128 = tpu.vector_load %arg6[%swap3A_1126, %swap3A_1127] {strides = array<i32>} : memref<250x80xi32, #tpu.memory_space<vmem>>, vector<1x16xi32>,
      %swap3A_1129 = vector.shape_cast %swap3A_1128 : vector<1x16xi32> to vector<16xi32>
      %swap3A_1130 = vector.shape_cast %add3A_1125 : vector<16xi32> to vector<1x16xi32>
      tpu.vector_store %arg6[%swap3A_1126, %swap3A_1127], %swap3A_1130 {strides = array<i32>} : memref<250x80xi32, #tpu.memory_space<vmem>>, vector<1x16xi32>,
      %get3A_1131 = arith.index_cast %add3A_1088 : i32 to index
      %get3A_1132 = arith.constant 48 : index
      %get3A_1133 = tpu.vector_load %arg6[%get3A_1131, %get3A_1132] {strides = array<i32>} : memref<250x80xi32, #tpu.memory_space<vmem>>, vector<1x16xi32>,
      %get3A_1134 = vector.shape_cast %get3A_1133 : vector<1x16xi32> to vector<16xi32>
      %mul3A_1135 = arith.constant 2 : i32
      %mul3A_1136 = vector.broadcast %mul3A_1135 : i32 to vector<16xi32>
      %mul3A_1137 = arith.muli %get3A_1134, %mul3A_1136 : vector<16xi32>
      %add3A_1138 = vector.broadcast %arg0 : i32 to vector<16xi32>
      %add3A_1139 = arith.addi %mul3A_1137, %add3A_1138 : vector<16xi32>
      %swap3A_1140 = arith.index_cast %add3A_1088 : i32 to index
      %swap3A_1141 = arith.constant 48 : index
      %swap3A_1142 = tpu.vector_load %arg6[%swap3A_1140, %swap3A_1141] {strides = array<i32>} : memref<250x80xi32, #tpu.memory_space<vmem>>, vector<1x16xi32>,
      %swap3A_1143 = vector.shape_cast %swap3A_1142 : vector<1x16xi32> to vector<16xi32>
      %swap3A_1144 = vector.shape_cast %add3A_1139 : vector<16xi32> to vector<1x16xi32>
      tpu.vector_store %arg6[%swap3A_1140, %swap3A_1141], %swap3A_1144 {strides = array<i32>} : memref<250x80xi32, #tpu.memory_space<vmem>>, vector<1x16xi32>,
      %get3A_1145 = arith.index_cast %add3A_1088 : i32 to index
      %get3A_1146 = arith.constant 64 : index
      %get3A_1147 = tpu.vector_load %arg6[%get3A_1145, %get3A_1146] {strides = array<i32>} : memref<250x80xi32, #tpu.memory_space<vmem>>, vector<1x16xi32>,
      %get3A_1148 = vector.shape_cast %get3A_1147 : vector<1x16xi32> to vector<16xi32>
      %mul3A_1149 = arith.constant 2 : i32
      %mul3A_1150 = vector.broadcast %mul3A_1149 : i32 to vector<16xi32>
      %mul3A_1151 = arith.muli %get3A_1148, %mul3A_1150 : vector<16xi32>
      %add3A_1152 = vector.broadcast %arg0 : i32 to vector<16xi32>
      %add3A_1153 = arith.addi %mul3A_1151, %add3A_1152 : vector<16xi32>
      %swap3A_1154 = arith.index_cast %add3A_1088 : i32 to index
      %swap3A_1155 = arith.constant 64 : index
      %swap3A_1156 = tpu.vector_load %arg6[%swap3A_1154, %swap3A_1155] {strides = array<i32>} : memref<250x80xi32, #tpu.memory_space<vmem>>, vector<1x16xi32>,
      %swap3A_1157 = vector.shape_cast %swap3A_1156 : vector<1x16xi32> to vector<16xi32>
      %swap3A_1158 = vector.shape_cast %add3A_1153 : vector<16xi32> to vector<1x16xi32>
      tpu.vector_store %arg6[%swap3A_1154, %swap3A_1155], %swap3A_1158 {strides = array<i32>} : memref<250x80xi32, #tpu.memory_space<vmem>>, vector<1x16xi32>,
      %dma_start3A_1159 = arith.constant 3 : i32
      %dma_start3A_1160 = arith.constant 0 : i32
      %dma_start3A_1161 = arith.constant 0 : i32
      %dma_start3A_1162 = tpu.memref_slice %arg8[%dma_start3A_1159, %dma_start3A_1160, %dma_start3A_1161] : memref<5x80x64xf32, #tpu.memory_space<vmem>> -> memref<1x80x64xf32, #tpu.memory_space<vmem>>
      %dma_start3A_1163 = tpu.memref_squeeze %dma_start3A_1162 : memref<1x80x64xf32, #tpu.memory_space<vmem>> -> memref<80x64xf32, #tpu.memory_space<vmem>>
      %dma_start3A_1164 = arith.constant 0 : i32
      %dma_start3A_1165 = tpu.memref_slice %arg6[%add3A_1088, %dma_start3A_1164] : memref<250x80xi32, #tpu.memory_space<vmem>> -> memref<1x80xi32, #tpu.memory_space<vmem>>
      %dma_start3A_1166 = tpu.memref_squeeze %dma_start3A_1165 : memref<1x80xi32, #tpu.memory_space<vmem>> -> memref<80xi32, #tpu.memory_space<vmem>>
      %dma_start3A_1167 = arith.constant 0 : i32
      %dma_start3A_1168 = arith.constant 0 : i32
      %dma_start3A_1169 = tpu.memref_slice %arg2[%dma_start3A_1167, %dma_start3A_1168] : memref<20000x64xf32, #tpu.memory_space<hbm>> -> memref<20000x64xf32, #tpu.memory_space<hbm>>
      tpu.enqueue_indirect_dma source(%dma_start3A_1169 : memref<20000x64xf32, #tpu.memory_space<hbm>>) target(%dma_start3A_1163 : memref<80x64xf32, #tpu.memory_space<vmem>>) offsets(%dma_start3A_1166 : memref<80xi32, #tpu.memory_space<vmem>>) semaphore(%arg13 : memref<!tpu.dma_semaphore, #tpu.memory_space<semaphore_mem>>)
      %mul3A_1170 = arith.constant 5 : i32
      %mul3A_1171 = arith.muli %scan3A_647, %mul3A_1170 : i32
      %add3A_1172 = arith.constant 4 : i32
      %add3A_1173 = arith.addi %mul3A_1171, %add3A_1172 : i32
      %dma_wait3A_1174 = arith.constant 4 : i32
      %dma_wait3A_1175 = arith.constant 0 : i32
      %dma_wait3A_1176 = arith.constant 0 : i32
      %dma_wait3A_1177 = tpu.memref_slice %arg8[%dma_wait3A_1174, %dma_wait3A_1175, %dma_wait3A_1176] : memref<5x80x64xf32, #tpu.memory_space<vmem>> -> memref<1x80x64xf32, #tpu.memory_space<vmem>>
      %dma_wait3A_1178 = tpu.memref_squeeze %dma_wait3A_1177 : memref<1x80x64xf32, #tpu.memory_space<vmem>> -> memref<80x64xf32, #tpu.memory_space<vmem>>
      %dma_wait3A_1179 = arith.constant 0 : i32
      %dma_wait3A_1180 = tpu.memref_slice %arg7[%add3A_1173, %dma_wait3A_1179] : memref<250x80xi32, #tpu.memory_space<vmem>> -> memref<1x80xi32, #tpu.memory_space<vmem>>
      %dma_wait3A_1181 = tpu.memref_squeeze %dma_wait3A_1180 : memref<1x80xi32, #tpu.memory_space<vmem>> -> memref<80xi32, #tpu.memory_space<vmem>>
      %dma_wait3A_1182 = arith.constant 0 : i32
      %dma_wait3A_1183 = arith.constant 0 : i32
      %dma_wait3A_1184 = tpu.memref_slice %arg9[%dma_wait3A_1182, %dma_wait3A_1183] : memref<10240x64xf32, #tpu.memory_space<vmem_shared>> -> memref<10240x64xf32, #tpu.memory_space<vmem_shared>>
      tpu.wait_indirect_dma semaphore(%arg19 : memref<!tpu.dma_semaphore, #tpu.memory_space<semaphore_mem>>) src(%dma_wait3A_1178 : memref<80x64xf32, #tpu.memory_space<vmem>>) dst(%dma_wait3A_1184 : memref<10240x64xf32, #tpu.memory_space<vmem_shared>>)
      %add3A_1185 = arith.constant 5 : i32
      %add3A_1186 = arith.addi %add3A_1173, %add3A_1185 : i32
      %get3A_1187 = arith.index_cast %add3A_1186 : i32 to index
      %get3A_1188 = arith.constant 0 : index
      %get3A_1189 = tpu.vector_load %arg6[%get3A_1187, %get3A_1188] {strides = array<i32>} : memref<250x80xi32, #tpu.memory_space<vmem>>, vector<1x16xi32>,
      %get3A_1190 = vector.shape_cast %get3A_1189 : vector<1x16xi32> to vector<16xi32>
      %mul3A_1191 = arith.constant 2 : i32
      %mul3A_1192 = vector.broadcast %mul3A_1191 : i32 to vector<16xi32>
      %mul3A_1193 = arith.muli %get3A_1190, %mul3A_1192 : vector<16xi32>
      %add3A_1194 = vector.broadcast %arg0 : i32 to vector<16xi32>
      %add3A_1195 = arith.addi %mul3A_1193, %add3A_1194 : vector<16xi32>
      %swap3A_1196 = arith.index_cast %add3A_1186 : i32 to index
      %swap3A_1197 = arith.constant 0 : index
      %swap3A_1198 = tpu.vector_load %arg6[%swap3A_1196, %swap3A_1197] {strides = array<i32>} : memref<250x80xi32, #tpu.memory_space<vmem>>, vector<1x16xi32>,
      %swap3A_1199 = vector.shape_cast %swap3A_1198 : vector<1x16xi32> to vector<16xi32>
      %swap3A_1200 = vector.shape_cast %add3A_1195 : vector<16xi32> to vector<1x16xi32>
      tpu.vector_store %arg6[%swap3A_1196, %swap3A_1197], %swap3A_1200 {strides = array<i32>} : memref<250x80xi32, #tpu.memory_space<vmem>>, vector<1x16xi32>,
      %get3A_1201 = arith.index_cast %add3A_1186 : i32 to index
      %get3A_1202 = arith.constant 16 : index
      %get3A_1203 = tpu.vector_load %arg6[%get3A_1201, %get3A_1202] {strides = array<i32>} : memref<250x80xi32, #tpu.memory_space<vmem>>, vector<1x16xi32>,
      %get3A_1204 = vector.shape_cast %get3A_1203 : vector<1x16xi32> to vector<16xi32>
      %mul3A_1205 = arith.constant 2 : i32
      %mul3A_1206 = vector.broadcast %mul3A_1205 : i32 to vector<16xi32>
      %mul3A_1207 = arith.muli %get3A_1204, %mul3A_1206 : vector<16xi32>
      %add3A_1208 = vector.broadcast %arg0 : i32 to vector<16xi32>
      %add3A_1209 = arith.addi %mul3A_1207, %add3A_1208 : vector<16xi32>
      %swap3A_1210 = arith.index_cast %add3A_1186 : i32 to index
      %swap3A_1211 = arith.constant 16 : index
      %swap3A_1212 = tpu.vector_load %arg6[%swap3A_1210, %swap3A_1211] {strides = array<i32>} : memref<250x80xi32, #tpu.memory_space<vmem>>, vector<1x16xi32>,
      %swap3A_1213 = vector.shape_cast %swap3A_1212 : vector<1x16xi32> to vector<16xi32>
      %swap3A_1214 = vector.shape_cast %add3A_1209 : vector<16xi32> to vector<1x16xi32>
      tpu.vector_store %arg6[%swap3A_1210, %swap3A_1211], %swap3A_1214 {strides = array<i32>} : memref<250x80xi32, #tpu.memory_space<vmem>>, vector<1x16xi32>,
      %get3A_1215 = arith.index_cast %add3A_1186 : i32 to index
      %get3A_1216 = arith.constant 32 : index
      %get3A_1217 = tpu.vector_load %arg6[%get3A_1215, %get3A_1216] {strides = array<i32>} : memref<250x80xi32, #tpu.memory_space<vmem>>, vector<1x16xi32>,
      %get3A_1218 = vector.shape_cast %get3A_1217 : vector<1x16xi32> to vector<16xi32>
      %mul3A_1219 = arith.constant 2 : i32
      %mul3A_1220 = vector.broadcast %mul3A_1219 : i32 to vector<16xi32>
      %mul3A_1221 = arith.muli %get3A_1218, %mul3A_1220 : vector<16xi32>
      %add3A_1222 = vector.broadcast %arg0 : i32 to vector<16xi32>
      %add3A_1223 = arith.addi %mul3A_1221, %add3A_1222 : vector<16xi32>
      %swap3A_1224 = arith.index_cast %add3A_1186 : i32 to index
      %swap3A_1225 = arith.constant 32 : index
      %swap3A_1226 = tpu.vector_load %arg6[%swap3A_1224, %swap3A_1225] {strides = array<i32>} : memref<250x80xi32, #tpu.memory_space<vmem>>, vector<1x16xi32>,
      %swap3A_1227 = vector.shape_cast %swap3A_1226 : vector<1x16xi32> to vector<16xi32>
      %swap3A_1228 = vector.shape_cast %add3A_1223 : vector<16xi32> to vector<1x16xi32>
      tpu.vector_store %arg6[%swap3A_1224, %swap3A_1225], %swap3A_1228 {strides = array<i32>} : memref<250x80xi32, #tpu.memory_space<vmem>>, vector<1x16xi32>,
      %get3A_1229 = arith.index_cast %add3A_1186 : i32 to index
      %get3A_1230 = arith.constant 48 : index
      %get3A_1231 = tpu.vector_load %arg6[%get3A_1229, %get3A_1230] {strides = array<i32>} : memref<250x80xi32, #tpu.memory_space<vmem>>, vector<1x16xi32>,
      %get3A_1232 = vector.shape_cast %get3A_1231 : vector<1x16xi32> to vector<16xi32>
      %mul3A_1233 = arith.constant 2 : i32
      %mul3A_1234 = vector.broadcast %mul3A_1233 : i32 to vector<16xi32>
      %mul3A_1235 = arith.muli %get3A_1232, %mul3A_1234 : vector<16xi32>
      %add3A_1236 = vector.broadcast %arg0 : i32 to vector<16xi32>
      %add3A_1237 = arith.addi %mul3A_1235, %add3A_1236 : vector<16xi32>
      %swap3A_1238 = arith.index_cast %add3A_1186 : i32 to index
      %swap3A_1239 = arith.constant 48 : index
      %swap3A_1240 = tpu.vector_load %arg6[%swap3A_1238, %swap3A_1239] {strides = array<i32>} : memref<250x80xi32, #tpu.memory_space<vmem>>, vector<1x16xi32>,
      %swap3A_1241 = vector.shape_cast %swap3A_1240 : vector<1x16xi32> to vector<16xi32>
      %swap3A_1242 = vector.shape_cast %add3A_1237 : vector<16xi32> to vector<1x16xi32>
      tpu.vector_store %arg6[%swap3A_1238, %swap3A_1239], %swap3A_1242 {strides = array<i32>} : memref<250x80xi32, #tpu.memory_space<vmem>>, vector<1x16xi32>,
      %get3A_1243 = arith.index_cast %add3A_1186 : i32 to index
      %get3A_1244 = arith.constant 64 : index
      %get3A_1245 = tpu.vector_load %arg6[%get3A_1243, %get3A_1244] {strides = array<i32>} : memref<250x80xi32, #tpu.memory_space<vmem>>, vector<1x16xi32>,
      %get3A_1246 = vector.shape_cast %get3A_1245 : vector<1x16xi32> to vector<16xi32>
      %mul3A_1247 = arith.constant 2 : i32
      %mul3A_1248 = vector.broadcast %mul3A_1247 : i32 to vector<16xi32>
      %mul3A_1249 = arith.muli %get3A_1246, %mul3A_1248 : vector<16xi32>
      %add3A_1250 = vector.broadcast %arg0 : i32 to vector<16xi32>
      %add3A_1251 = arith.addi %mul3A_1249, %add3A_1250 : vector<16xi32>
      %swap3A_1252 = arith.index_cast %add3A_1186 : i32 to index
      %swap3A_1253 = arith.constant 64 : index
      %swap3A_1254 = tpu.vector_load %arg6[%swap3A_1252, %swap3A_1253] {strides = array<i32>} : memref<250x80xi32, #tpu.memory_space<vmem>>, vector<1x16xi32>,
      %swap3A_1255 = vector.shape_cast %swap3A_1254 : vector<1x16xi32> to vector<16xi32>
      %swap3A_1256 = vector.shape_cast %add3A_1251 : vector<16xi32> to vector<1x16xi32>
      tpu.vector_store %arg6[%swap3A_1252, %swap3A_1253], %swap3A_1256 {strides = array<i32>} : memref<250x80xi32, #tpu.memory_space<vmem>>, vector<1x16xi32>,
      %dma_start3A_1257 = arith.constant 4 : i32
      %dma_start3A_1258 = arith.constant 0 : i32
      %dma_start3A_1259 = arith.constant 0 : i32
      %dma_start3A_1260 = tpu.memref_slice %arg8[%dma_start3A_1257, %dma_start3A_1258, %dma_start3A_1259] : memref<5x80x64xf32, #tpu.memory_space<vmem>> -> memref<1x80x64xf32, #tpu.memory_space<vmem>>
      %dma_start3A_1261 = tpu.memref_squeeze %dma_start3A_1260 : memref<1x80x64xf32, #tpu.memory_space<vmem>> -> memref<80x64xf32, #tpu.memory_space<vmem>>
      %dma_start3A_1262 = arith.constant 0 : i32
      %dma_start3A_1263 = tpu.memref_slice %arg6[%add3A_1186, %dma_start3A_1262] : memref<250x80xi32, #tpu.memory_space<vmem>> -> memref<1x80xi32, #tpu.memory_space<vmem>>
      %dma_start3A_1264 = tpu.memref_squeeze %dma_start3A_1263 : memref<1x80xi32, #tpu.memory_space<vmem>> -> memref<80xi32, #tpu.memory_space<vmem>>
      %dma_start3A_1265 = arith.constant 0 : i32
      %dma_start3A_1266 = arith.constant 0 : i32
      %dma_start3A_1267 = tpu.memref_slice %arg2[%dma_start3A_1265, %dma_start3A_1266] : memref<20000x64xf32, #tpu.memory_space<hbm>> -> memref<20000x64xf32, #tpu.memory_space<hbm>>
      tpu.enqueue_indirect_dma source(%dma_start3A_1267 : memref<20000x64xf32, #tpu.memory_space<hbm>>) target(%dma_start3A_1261 : memref<80x64xf32, #tpu.memory_space<vmem>>) offsets(%dma_start3A_1264 : memref<80xi32, #tpu.memory_space<vmem>>) semaphore(%arg14 : memref<!tpu.dma_semaphore, #tpu.memory_space<semaphore_mem>>)
    }
    %scan3A_465 = arith.constant 49 : i32
    %dma_wait3A_466 = arith.constant 245 : i32
    %dma_wait3A_467 = arith.constant 0 : i32
    %dma_wait3A_468 = arith.constant 0 : i32
    %dma_wait3A_469 = arith.constant 0 : i32
    %dma_wait3A_470 = tpu.memref_slice %arg8[%dma_wait3A_467, %dma_wait3A_468, %dma_wait3A_469] : memref<5x80x64xf32, #tpu.memory_space<vmem>> -> memref<1x80x64xf32, #tpu.memory_space<vmem>>
    %dma_wait3A_471 = tpu.memref_squeeze %dma_wait3A_470 : memref<1x80x64xf32, #tpu.memory_space<vmem>> -> memref<80x64xf32, #tpu.memory_space<vmem>>
    %dma_wait3A_472 = arith.constant 0 : i32
    %dma_wait3A_473 = tpu.memref_slice %arg6[%dma_wait3A_466, %dma_wait3A_472] : memref<250x80xi32, #tpu.memory_space<vmem>> -> memref<1x80xi32, #tpu.memory_space<vmem>>
    %dma_wait3A_474 = tpu.memref_squeeze %dma_wait3A_473 : memref<1x80xi32, #tpu.memory_space<vmem>> -> memref<80xi32, #tpu.memory_space<vmem>>
    %dma_wait3A_475 = arith.constant 0 : i32
    %dma_wait3A_476 = arith.constant 0 : i32
    %dma_wait3A_477 = tpu.memref_slice %arg2[%dma_wait3A_475, %dma_wait3A_476] : memref<20000x64xf32, #tpu.memory_space<hbm>> -> memref<20000x64xf32, #tpu.memory_space<hbm>>
    tpu.wait_indirect_dma semaphore(%arg10 : memref<!tpu.dma_semaphore, #tpu.memory_space<semaphore_mem>>) src(%dma_wait3A_477 : memref<20000x64xf32, #tpu.memory_space<hbm>>) dst(%dma_wait3A_471 : memref<80x64xf32, #tpu.memory_space<vmem>>)
    %dma_start3A_478 = arith.constant 0 : i32
    %dma_start3A_479 = arith.constant 245 : i32
    %dma_start3A_480 = arith.constant 0 : i32
    %dma_start3A_481 = arith.constant 0 : i32
    %dma_start3A_482 = tpu.memref_slice %arg8[%dma_start3A_478, %dma_start3A_480, %dma_start3A_481] : memref<5x80x64xf32, #tpu.memory_space<vmem>> -> memref<1x80x64xf32, #tpu.memory_space<vmem>>
    %dma_start3A_483 = tpu.memref_squeeze %dma_start3A_482 : memref<1x80x64xf32, #tpu.memory_space<vmem>> -> memref<80x64xf32, #tpu.memory_space<vmem>>
    %dma_start3A_484 = arith.constant 0 : i32
    %dma_start3A_485 = tpu.memref_slice %arg7[%dma_start3A_479, %dma_start3A_484] : memref<250x80xi32, #tpu.memory_space<vmem>> -> memref<1x80xi32, #tpu.memory_space<vmem>>
    %dma_start3A_486 = tpu.memref_squeeze %dma_start3A_485 : memref<1x80xi32, #tpu.memory_space<vmem>> -> memref<80xi32, #tpu.memory_space<vmem>>
    %dma_start3A_487 = arith.constant 0 : i32
    %dma_start3A_488 = arith.constant 0 : i32
    %dma_start3A_489 = tpu.memref_slice %arg9[%dma_start3A_487, %dma_start3A_488] : memref<10240x64xf32, #tpu.memory_space<vmem_shared>> -> memref<10240x64xf32, #tpu.memory_space<vmem_shared>>
    tpu.enqueue_indirect_dma source(%dma_start3A_483 : memref<80x64xf32, #tpu.memory_space<vmem>>) target(%dma_start3A_489 : memref<10240x64xf32, #tpu.memory_space<vmem_shared>>) offsets(%dma_start3A_486 : memref<80xi32, #tpu.memory_space<vmem>>) semaphore(%arg15 : memref<!tpu.dma_semaphore, #tpu.memory_space<semaphore_mem>>) {add = true}
    %dma_wait3A_490 = arith.constant 246 : i32
    %dma_wait3A_491 = arith.constant 1 : i32
    %dma_wait3A_492 = arith.constant 0 : i32
    %dma_wait3A_493 = arith.constant 0 : i32
    %dma_wait3A_494 = tpu.memref_slice %arg8[%dma_wait3A_491, %dma_wait3A_492, %dma_wait3A_493] : memref<5x80x64xf32, #tpu.memory_space<vmem>> -> memref<1x80x64xf32, #tpu.memory_space<vmem>>
    %dma_wait3A_495 = tpu.memref_squeeze %dma_wait3A_494 : memref<1x80x64xf32, #tpu.memory_space<vmem>> -> memref<80x64xf32, #tpu.memory_space<vmem>>
    %dma_wait3A_496 = arith.constant 0 : i32
    %dma_wait3A_497 = tpu.memref_slice %arg6[%dma_wait3A_490, %dma_wait3A_496] : memref<250x80xi32, #tpu.memory_space<vmem>> -> memref<1x80xi32, #tpu.memory_space<vmem>>
    %dma_wait3A_498 = tpu.memref_squeeze %dma_wait3A_497 : memref<1x80xi32, #tpu.memory_space<vmem>> -> memref<80xi32, #tpu.memory_space<vmem>>
    %dma_wait3A_499 = arith.constant 0 : i32
    %dma_wait3A_500 = arith.constant 0 : i32
    %dma_wait3A_501 = tpu.memref_slice %arg2[%dma_wait3A_499, %dma_wait3A_500] : memref<20000x64xf32, #tpu.memory_space<hbm>> -> memref<20000x64xf32, #tpu.memory_space<hbm>>
    tpu.wait_indirect_dma semaphore(%arg11 : memref<!tpu.dma_semaphore, #tpu.memory_space<semaphore_mem>>) src(%dma_wait3A_501 : memref<20000x64xf32, #tpu.memory_space<hbm>>) dst(%dma_wait3A_495 : memref<80x64xf32, #tpu.memory_space<vmem>>)
    %dma_start3A_502 = arith.constant 1 : i32
    %dma_start3A_503 = arith.constant 246 : i32
    %dma_start3A_504 = arith.constant 0 : i32
    %dma_start3A_505 = arith.constant 0 : i32
    %dma_start3A_506 = tpu.memref_slice %arg8[%dma_start3A_502, %dma_start3A_504, %dma_start3A_505] : memref<5x80x64xf32, #tpu.memory_space<vmem>> -> memref<1x80x64xf32, #tpu.memory_space<vmem>>
    %dma_start3A_507 = tpu.memref_squeeze %dma_start3A_506 : memref<1x80x64xf32, #tpu.memory_space<vmem>> -> memref<80x64xf32, #tpu.memory_space<vmem>>
    %dma_start3A_508 = arith.constant 0 : i32
    %dma_start3A_509 = tpu.memref_slice %arg7[%dma_start3A_503, %dma_start3A_508] : memref<250x80xi32, #tpu.memory_space<vmem>> -> memref<1x80xi32, #tpu.memory_space<vmem>>
    %dma_start3A_510 = tpu.memref_squeeze %dma_start3A_509 : memref<1x80xi32, #tpu.memory_space<vmem>> -> memref<80xi32, #tpu.memory_space<vmem>>
    %dma_start3A_511 = arith.constant 0 : i32
    %dma_start3A_512 = arith.constant 0 : i32
    %dma_start3A_513 = tpu.memref_slice %arg9[%dma_start3A_511, %dma_start3A_512] : memref<10240x64xf32, #tpu.memory_space<vmem_shared>> -> memref<10240x64xf32, #tpu.memory_space<vmem_shared>>
    tpu.enqueue_indirect_dma source(%dma_start3A_507 : memref<80x64xf32, #tpu.memory_space<vmem>>) target(%dma_start3A_513 : memref<10240x64xf32, #tpu.memory_space<vmem_shared>>) offsets(%dma_start3A_510 : memref<80xi32, #tpu.memory_space<vmem>>) semaphore(%arg16 : memref<!tpu.dma_semaphore, #tpu.memory_space<semaphore_mem>>) {add = true}
    %dma_wait3A_514 = arith.constant 247 : i32
    %dma_wait3A_515 = arith.constant 2 : i32
    %dma_wait3A_516 = arith.constant 0 : i32
    %dma_wait3A_517 = arith.constant 0 : i32
    %dma_wait3A_518 = tpu.memref_slice %arg8[%dma_wait3A_515, %dma_wait3A_516, %dma_wait3A_517] : memref<5x80x64xf32, #tpu.memory_space<vmem>> -> memref<1x80x64xf32, #tpu.memory_space<vmem>>
    %dma_wait3A_519 = tpu.memref_squeeze %dma_wait3A_518 : memref<1x80x64xf32, #tpu.memory_space<vmem>> -> memref<80x64xf32, #tpu.memory_space<vmem>>
    %dma_wait3A_520 = arith.constant 0 : i32
    %dma_wait3A_521 = tpu.memref_slice %arg6[%dma_wait3A_514, %dma_wait3A_520] : memref<250x80xi32, #tpu.memory_space<vmem>> -> memref<1x80xi32, #tpu.memory_space<vmem>>
    %dma_wait3A_522 = tpu.memref_squeeze %dma_wait3A_521 : memref<1x80xi32, #tpu.memory_space<vmem>> -> memref<80xi32, #tpu.memory_space<vmem>>
    %dma_wait3A_523 = arith.constant 0 : i32
    %dma_wait3A_524 = arith.constant 0 : i32
    %dma_wait3A_525 = tpu.memref_slice %arg2[%dma_wait3A_523, %dma_wait3A_524] : memref<20000x64xf32, #tpu.memory_space<hbm>> -> memref<20000x64xf32, #tpu.memory_space<hbm>>
    tpu.wait_indirect_dma semaphore(%arg12 : memref<!tpu.dma_semaphore, #tpu.memory_space<semaphore_mem>>) src(%dma_wait3A_525 : memref<20000x64xf32, #tpu.memory_space<hbm>>) dst(%dma_wait3A_519 : memref<80x64xf32, #tpu.memory_space<vmem>>)
    %dma_start3A_526 = arith.constant 2 : i32
    %dma_start3A_527 = arith.constant 247 : i32
    %dma_start3A_528 = arith.constant 0 : i32
    %dma_start3A_529 = arith.constant 0 : i32
    %dma_start3A_530 = tpu.memref_slice %arg8[%dma_start3A_526, %dma_start3A_528, %dma_start3A_529] : memref<5x80x64xf32, #tpu.memory_space<vmem>> -> memref<1x80x64xf32, #tpu.memory_space<vmem>>
    %dma_start3A_531 = tpu.memref_squeeze %dma_start3A_530 : memref<1x80x64xf32, #tpu.memory_space<vmem>> -> memref<80x64xf32, #tpu.memory_space<vmem>>
    %dma_start3A_532 = arith.constant 0 : i32
    %dma_start3A_533 = tpu.memref_slice %arg7[%dma_start3A_527, %dma_start3A_532] : memref<250x80xi32, #tpu.memory_space<vmem>> -> memref<1x80xi32, #tpu.memory_space<vmem>>
    %dma_start3A_534 = tpu.memref_squeeze %dma_start3A_533 : memref<1x80xi32, #tpu.memory_space<vmem>> -> memref<80xi32, #tpu.memory_space<vmem>>
    %dma_start3A_535 = arith.constant 0 : i32
    %dma_start3A_536 = arith.constant 0 : i32
    %dma_start3A_537 = tpu.memref_slice %arg9[%dma_start3A_535, %dma_start3A_536] : memref<10240x64xf32, #tpu.memory_space<vmem_shared>> -> memref<10240x64xf32, #tpu.memory_space<vmem_shared>>
    tpu.enqueue_indirect_dma source(%dma_start3A_531 : memref<80x64xf32, #tpu.memory_space<vmem>>) target(%dma_start3A_537 : memref<10240x64xf32, #tpu.memory_space<vmem_shared>>) offsets(%dma_start3A_534 : memref<80xi32, #tpu.memory_space<vmem>>) semaphore(%arg17 : memref<!tpu.dma_semaphore, #tpu.memory_space<semaphore_mem>>) {add = true}
    %dma_wait3A_538 = arith.constant 248 : i32
    %dma_wait3A_539 = arith.constant 3 : i32
    %dma_wait3A_540 = arith.constant 0 : i32
    %dma_wait3A_541 = arith.constant 0 : i32
    %dma_wait3A_542 = tpu.memref_slice %arg8[%dma_wait3A_539, %dma_wait3A_540, %dma_wait3A_541] : memref<5x80x64xf32, #tpu.memory_space<vmem>> -> memref<1x80x64xf32, #tpu.memory_space<vmem>>
    %dma_wait3A_543 = tpu.memref_squeeze %dma_wait3A_542 : memref<1x80x64xf32, #tpu.memory_space<vmem>> -> memref<80x64xf32, #tpu.memory_space<vmem>>
    %dma_wait3A_544 = arith.constant 0 : i32
    %dma_wait3A_545 = tpu.memref_slice %arg6[%dma_wait3A_538, %dma_wait3A_544] : memref<250x80xi32, #tpu.memory_space<vmem>> -> memref<1x80xi32, #tpu.memory_space<vmem>>
    %dma_wait3A_546 = tpu.memref_squeeze %dma_wait3A_545 : memref<1x80xi32, #tpu.memory_space<vmem>> -> memref<80xi32, #tpu.memory_space<vmem>>
    %dma_wait3A_547 = arith.constant 0 : i32
    %dma_wait3A_548 = arith.constant 0 : i32
    %dma_wait3A_549 = tpu.memref_slice %arg2[%dma_wait3A_547, %dma_wait3A_548] : memref<20000x64xf32, #tpu.memory_space<hbm>> -> memref<20000x64xf32, #tpu.memory_space<hbm>>
    tpu.wait_indirect_dma semaphore(%arg13 : memref<!tpu.dma_semaphore, #tpu.memory_space<semaphore_mem>>) src(%dma_wait3A_549 : memref<20000x64xf32, #tpu.memory_space<hbm>>) dst(%dma_wait3A_543 : memref<80x64xf32, #tpu.memory_space<vmem>>)
    %dma_start3A_550 = arith.constant 3 : i32
    %dma_start3A_551 = arith.constant 248 : i32
    %dma_start3A_552 = arith.constant 0 : i32
    %dma_start3A_553 = arith.constant 0 : i32
    %dma_start3A_554 = tpu.memref_slice %arg8[%dma_start3A_550, %dma_start3A_552, %dma_start3A_553] : memref<5x80x64xf32, #tpu.memory_space<vmem>> -> memref<1x80x64xf32, #tpu.memory_space<vmem>>
    %dma_start3A_555 = tpu.memref_squeeze %dma_start3A_554 : memref<1x80x64xf32, #tpu.memory_space<vmem>> -> memref<80x64xf32, #tpu.memory_space<vmem>>
    %dma_start3A_556 = arith.constant 0 : i32
    %dma_start3A_557 = tpu.memref_slice %arg7[%dma_start3A_551, %dma_start3A_556] : memref<250x80xi32, #tpu.memory_space<vmem>> -> memref<1x80xi32, #tpu.memory_space<vmem>>
    %dma_start3A_558 = tpu.memref_squeeze %dma_start3A_557 : memref<1x80xi32, #tpu.memory_space<vmem>> -> memref<80xi32, #tpu.memory_space<vmem>>
    %dma_start3A_559 = arith.constant 0 : i32
    %dma_start3A_560 = arith.constant 0 : i32
    %dma_start3A_561 = tpu.memref_slice %arg9[%dma_start3A_559, %dma_start3A_560] : memref<10240x64xf32, #tpu.memory_space<vmem_shared>> -> memref<10240x64xf32, #tpu.memory_space<vmem_shared>>
    tpu.enqueue_indirect_dma source(%dma_start3A_555 : memref<80x64xf32, #tpu.memory_space<vmem>>) target(%dma_start3A_561 : memref<10240x64xf32, #tpu.memory_space<vmem_shared>>) offsets(%dma_start3A_558 : memref<80xi32, #tpu.memory_space<vmem>>) semaphore(%arg18 : memref<!tpu.dma_semaphore, #tpu.memory_space<semaphore_mem>>) {add = true}
    %dma_wait3A_562 = arith.constant 249 : i32
    %dma_wait3A_563 = arith.constant 4 : i32
    %dma_wait3A_564 = arith.constant 0 : i32
    %dma_wait3A_565 = arith.constant 0 : i32
    %dma_wait3A_566 = tpu.memref_slice %arg8[%dma_wait3A_563, %dma_wait3A_564, %dma_wait3A_565] : memref<5x80x64xf32, #tpu.memory_space<vmem>> -> memref<1x80x64xf32, #tpu.memory_space<vmem>>
    %dma_wait3A_567 = tpu.memref_squeeze %dma_wait3A_566 : memref<1x80x64xf32, #tpu.memory_space<vmem>> -> memref<80x64xf32, #tpu.memory_space<vmem>>
    %dma_wait3A_568 = arith.constant 0 : i32
    %dma_wait3A_569 = tpu.memref_slice %arg6[%dma_wait3A_562, %dma_wait3A_568] : memref<250x80xi32, #tpu.memory_space<vmem>> -> memref<1x80xi32, #tpu.memory_space<vmem>>
    %dma_wait3A_570 = tpu.memref_squeeze %dma_wait3A_569 : memref<1x80xi32, #tpu.memory_space<vmem>> -> memref<80xi32, #tpu.memory_space<vmem>>
    %dma_wait3A_571 = arith.constant 0 : i32
    %dma_wait3A_572 = arith.constant 0 : i32
    %dma_wait3A_573 = tpu.memref_slice %arg2[%dma_wait3A_571, %dma_wait3A_572] : memref<20000x64xf32, #tpu.memory_space<hbm>> -> memref<20000x64xf32, #tpu.memory_space<hbm>>
    tpu.wait_indirect_dma semaphore(%arg14 : memref<!tpu.dma_semaphore, #tpu.memory_space<semaphore_mem>>) src(%dma_wait3A_573 : memref<20000x64xf32, #tpu.memory_space<hbm>>) dst(%dma_wait3A_567 : memref<80x64xf32, #tpu.memory_space<vmem>>)
    %dma_start3A_574 = arith.constant 4 : i32
    %dma_start3A_575 = arith.constant 249 : i32
    %dma_start3A_576 = arith.constant 0 : i32
    %dma_start3A_577 = arith.constant 0 : i32
    %dma_start3A_578 = tpu.memref_slice %arg8[%dma_start3A_574, %dma_start3A_576, %dma_start3A_577] : memref<5x80x64xf32, #tpu.memory_space<vmem>> -> memref<1x80x64xf32, #tpu.memory_space<vmem>>
    %dma_start3A_579 = tpu.memref_squeeze %dma_start3A_578 : memref<1x80x64xf32, #tpu.memory_space<vmem>> -> memref<80x64xf32, #tpu.memory_space<vmem>>
    %dma_start3A_580 = arith.constant 0 : i32
    %dma_start3A_581 = tpu.memref_slice %arg7[%dma_start3A_575, %dma_start3A_580] : memref<250x80xi32, #tpu.memory_space<vmem>> -> memref<1x80xi32, #tpu.memory_space<vmem>>
    %dma_start3A_582 = tpu.memref_squeeze %dma_start3A_581 : memref<1x80xi32, #tpu.memory_space<vmem>> -> memref<80xi32, #tpu.memory_space<vmem>>
    %dma_start3A_583 = arith.constant 0 : i32
    %dma_start3A_584 = arith.constant 0 : i32
    %dma_start3A_585 = tpu.memref_slice %arg9[%dma_start3A_583, %dma_start3A_584] : memref<10240x64xf32, #tpu.memory_space<vmem_shared>> -> memref<10240x64xf32, #tpu.memory_space<vmem_shared>>
    tpu.enqueue_indirect_dma source(%dma_start3A_579 : memref<80x64xf32, #tpu.memory_space<vmem>>) target(%dma_start3A_585 : memref<10240x64xf32, #tpu.memory_space<vmem_shared>>) offsets(%dma_start3A_582 : memref<80xi32, #tpu.memory_space<vmem>>) semaphore(%arg19 : memref<!tpu.dma_semaphore, #tpu.memory_space<semaphore_mem>>) {add = true}
    %dma_wait3A_586 = arith.constant 0 : i32
    %dma_wait3A_587 = arith.constant 245 : i32
    %dma_wait3A_588 = arith.constant 0 : i32
    %dma_wait3A_589 = arith.constant 0 : i32
    %dma_wait3A_590 = tpu.memref_slice %arg8[%dma_wait3A_586, %dma_wait3A_588, %dma_wait3A_589] : memref<5x80x64xf32, #tpu.memory_space<vmem>> -> memref<1x80x64xf32, #tpu.memory_space<vmem>>
    %dma_wait3A_591 = tpu.memref_squeeze %dma_wait3A_590 : memref<1x80x64xf32, #tpu.memory_space<vmem>> -> memref<80x64xf32, #tpu.memory_space<vmem>>
    %dma_wait3A_592 = arith.constant 0 : i32
    %dma_wait3A_593 = tpu.memref_slice %arg7[%dma_wait3A_587, %dma_wait3A_592] : memref<250x80xi32, #tpu.memory_space<vmem>> -> memref<1x80xi32, #tpu.memory_space<vmem>>
    %dma_wait3A_594 = tpu.memref_squeeze %dma_wait3A_593 : memref<1x80xi32, #tpu.memory_space<vmem>> -> memref<80xi32, #tpu.memory_space<vmem>>
    %dma_wait3A_595 = arith.constant 0 : i32
    %dma_wait3A_596 = arith.constant 0 : i32
    %dma_wait3A_597 = tpu.memref_slice %arg9[%dma_wait3A_595, %dma_wait3A_596] : memref<10240x64xf32, #tpu.memory_space<vmem_shared>> -> memref<10240x64xf32, #tpu.memory_space<vmem_shared>>
    tpu.wait_indirect_dma semaphore(%arg15 : memref<!tpu.dma_semaphore, #tpu.memory_space<semaphore_mem>>) src(%dma_wait3A_591 : memref<80x64xf32, #tpu.memory_space<vmem>>) dst(%dma_wait3A_597 : memref<10240x64xf32, #tpu.memory_space<vmem_shared>>)
    %dma_wait3A_598 = arith.constant 1 : i32
    %dma_wait3A_599 = arith.constant 246 : i32
    %dma_wait3A_600 = arith.constant 0 : i32
    %dma_wait3A_601 = arith.constant 0 : i32
    %dma_wait3A_602 = tpu.memref_slice %arg8[%dma_wait3A_598, %dma_wait3A_600, %dma_wait3A_601] : memref<5x80x64xf32, #tpu.memory_space<vmem>> -> memref<1x80x64xf32, #tpu.memory_space<vmem>>
    %dma_wait3A_603 = tpu.memref_squeeze %dma_wait3A_602 : memref<1x80x64xf32, #tpu.memory_space<vmem>> -> memref<80x64xf32, #tpu.memory_space<vmem>>
    %dma_wait3A_604 = arith.constant 0 : i32
    %dma_wait3A_605 = tpu.memref_slice %arg7[%dma_wait3A_599, %dma_wait3A_604] : memref<250x80xi32, #tpu.memory_space<vmem>> -> memref<1x80xi32, #tpu.memory_space<vmem>>
    %dma_wait3A_606 = tpu.memref_squeeze %dma_wait3A_605 : memref<1x80xi32, #tpu.memory_space<vmem>> -> memref<80xi32, #tpu.memory_space<vmem>>
    %dma_wait3A_607 = arith.constant 0 : i32
    %dma_wait3A_608 = arith.constant 0 : i32
    %dma_wait3A_609 = tpu.memref_slice %arg9[%dma_wait3A_607, %dma_wait3A_608] : memref<10240x64xf32, #tpu.memory_space<vmem_shared>> -> memref<10240x64xf32, #tpu.memory_space<vmem_shared>>
    tpu.wait_indirect_dma semaphore(%arg16 : memref<!tpu.dma_semaphore, #tpu.memory_space<semaphore_mem>>) src(%dma_wait3A_603 : memref<80x64xf32, #tpu.memory_space<vmem>>) dst(%dma_wait3A_609 : memref<10240x64xf32, #tpu.memory_space<vmem_shared>>)
    %dma_wait3A_610 = arith.constant 2 : i32
    %dma_wait3A_611 = arith.constant 247 : i32
    %dma_wait3A_612 = arith.constant 0 : i32
    %dma_wait3A_613 = arith.constant 0 : i32
    %dma_wait3A_614 = tpu.memref_slice %arg8[%dma_wait3A_610, %dma_wait3A_612, %dma_wait3A_613] : memref<5x80x64xf32, #tpu.memory_space<vmem>> -> memref<1x80x64xf32, #tpu.memory_space<vmem>>
    %dma_wait3A_615 = tpu.memref_squeeze %dma_wait3A_614 : memref<1x80x64xf32, #tpu.memory_space<vmem>> -> memref<80x64xf32, #tpu.memory_space<vmem>>
    %dma_wait3A_616 = arith.constant 0 : i32
    %dma_wait3A_617 = tpu.memref_slice %arg7[%dma_wait3A_611, %dma_wait3A_616] : memref<250x80xi32, #tpu.memory_space<vmem>> -> memref<1x80xi32, #tpu.memory_space<vmem>>
    %dma_wait3A_618 = tpu.memref_squeeze %dma_wait3A_617 : memref<1x80xi32, #tpu.memory_space<vmem>> -> memref<80xi32, #tpu.memory_space<vmem>>
    %dma_wait3A_619 = arith.constant 0 : i32
    %dma_wait3A_620 = arith.constant 0 : i32
    %dma_wait3A_621 = tpu.memref_slice %arg9[%dma_wait3A_619, %dma_wait3A_620] : memref<10240x64xf32, #tpu.memory_space<vmem_shared>> -> memref<10240x64xf32, #tpu.memory_space<vmem_shared>>
    tpu.wait_indirect_dma semaphore(%arg17 : memref<!tpu.dma_semaphore, #tpu.memory_space<semaphore_mem>>) src(%dma_wait3A_615 : memref<80x64xf32, #tpu.memory_space<vmem>>) dst(%dma_wait3A_621 : memref<10240x64xf32, #tpu.memory_space<vmem_shared>>)
    %dma_wait3A_622 = arith.constant 3 : i32
    %dma_wait3A_623 = arith.constant 248 : i32
    %dma_wait3A_624 = arith.constant 0 : i32
    %dma_wait3A_625 = arith.constant 0 : i32
    %dma_wait3A_626 = tpu.memref_slice %arg8[%dma_wait3A_622, %dma_wait3A_624, %dma_wait3A_625] : memref<5x80x64xf32, #tpu.memory_space<vmem>> -> memref<1x80x64xf32, #tpu.memory_space<vmem>>
    %dma_wait3A_627 = tpu.memref_squeeze %dma_wait3A_626 : memref<1x80x64xf32, #tpu.memory_space<vmem>> -> memref<80x64xf32, #tpu.memory_space<vmem>>
    %dma_wait3A_628 = arith.constant 0 : i32
    %dma_wait3A_629 = tpu.memref_slice %arg7[%dma_wait3A_623, %dma_wait3A_628] : memref<250x80xi32, #tpu.memory_space<vmem>> -> memref<1x80xi32, #tpu.memory_space<vmem>>
    %dma_wait3A_630 = tpu.memref_squeeze %dma_wait3A_629 : memref<1x80xi32, #tpu.memory_space<vmem>> -> memref<80xi32, #tpu.memory_space<vmem>>
    %dma_wait3A_631 = arith.constant 0 : i32
    %dma_wait3A_632 = arith.constant 0 : i32
    %dma_wait3A_633 = tpu.memref_slice %arg9[%dma_wait3A_631, %dma_wait3A_632] : memref<10240x64xf32, #tpu.memory_space<vmem_shared>> -> memref<10240x64xf32, #tpu.memory_space<vmem_shared>>
    tpu.wait_indirect_dma semaphore(%arg18 : memref<!tpu.dma_semaphore, #tpu.memory_space<semaphore_mem>>) src(%dma_wait3A_627 : memref<80x64xf32, #tpu.memory_space<vmem>>) dst(%dma_wait3A_633 : memref<10240x64xf32, #tpu.memory_space<vmem_shared>>)
    %dma_wait3A_634 = arith.constant 4 : i32
    %dma_wait3A_635 = arith.constant 249 : i32
    %dma_wait3A_636 = arith.constant 0 : i32
    %dma_wait3A_637 = arith.constant 0 : i32
    %dma_wait3A_638 = tpu.memref_slice %arg8[%dma_wait3A_634, %dma_wait3A_636, %dma_wait3A_637] : memref<5x80x64xf32, #tpu.memory_space<vmem>> -> memref<1x80x64xf32, #tpu.memory_space<vmem>>
    %dma_wait3A_639 = tpu.memref_squeeze %dma_wait3A_638 : memref<1x80x64xf32, #tpu.memory_space<vmem>> -> memref<80x64xf32, #tpu.memory_space<vmem>>
    %dma_wait3A_640 = arith.constant 0 : i32
    %dma_wait3A_641 = tpu.memref_slice %arg7[%dma_wait3A_635, %dma_wait3A_640] : memref<250x80xi32, #tpu.memory_space<vmem>> -> memref<1x80xi32, #tpu.memory_space<vmem>>
    %dma_wait3A_642 = tpu.memref_squeeze %dma_wait3A_641 : memref<1x80xi32, #tpu.memory_space<vmem>> -> memref<80xi32, #tpu.memory_space<vmem>>
    %dma_wait3A_643 = arith.constant 0 : i32
    %dma_wait3A_644 = arith.constant 0 : i32
    %dma_wait3A_645 = tpu.memref_slice %arg9[%dma_wait3A_643, %dma_wait3A_644] : memref<10240x64xf32, #tpu.memory_space<vmem_shared>> -> memref<10240x64xf32, #tpu.memory_space<vmem_shared>>
    tpu.wait_indirect_dma semaphore(%arg19 : memref<!tpu.dma_semaphore, #tpu.memory_space<semaphore_mem>>) src(%dma_wait3A_639 : memref<80x64xf32, #tpu.memory_space<vmem>>) dst(%dma_wait3A_645 : memref<10240x64xf32, #tpu.memory_space<vmem_shared>>)
    %barrier3A_646 = arith.constant 0 : index
    tpu.barrier barrier_id(%barrier3A_646)
    "tpu.region"() ({
      %run_scoped3A_647 = tpu.sem_alloc : memref<!tpu.dma_semaphore, #tpu.memory_space<semaphore_mem>>
      %dma_start3A_648 = arith.constant 0 : i32
      %dma_start3A_649 = tpu.memref_slice %arg5[%arg0, %mul3A_0, %dma_start3A_648] : memref<2x10240x64xf32, #tpu.memory_space<hbm>> -> memref<1x640x64xf32, #tpu.memory_space<hbm>>
      %dma_start3A_650 = tpu.memref_squeeze %dma_start3A_649 : memref<1x640x64xf32, #tpu.memory_space<hbm>> -> memref<640x64xf32, #tpu.memory_space<hbm>>
      %dma_start3A_651 = arith.constant 0 : i32
      %dma_start3A_652 = tpu.memref_slice %arg9[%mul3A_0, %dma_start3A_651] : memref<10240x64xf32, #tpu.memory_space<vmem_shared>> -> memref<640x64xf32, #tpu.memory_space<vmem_shared>>
      tpu.enqueue_dma source(%dma_start3A_652 : memref<640x64xf32, #tpu.memory_space<vmem_shared>>) target(%dma_start3A_650 : memref<640x64xf32, #tpu.memory_space<hbm>>) target_semaphore(%run_scoped3A_647 : memref<!tpu.dma_semaphore, #tpu.memory_space<semaphore_mem>>)
      %dma_wait3A_653 = arith.constant 0 : i32
      %dma_wait3A_654 = tpu.memref_slice %arg5[%arg0, %mul3A_0, %dma_wait3A_653] : memref<2x10240x64xf32, #tpu.memory_space<hbm>> -> memref<1x640x64xf32, #tpu.memory_space<hbm>>
      %dma_wait3A_655 = tpu.memref_squeeze %dma_wait3A_654 : memref<1x640x64xf32, #tpu.memory_space<hbm>> -> memref<640x64xf32, #tpu.memory_space<hbm>>
      %dma_wait3A_656 = arith.constant 0 : i32
      %dma_wait3A_657 = tpu.memref_slice %arg9[%mul3A_0, %dma_wait3A_656] : memref<10240x64xf32, #tpu.memory_space<vmem_shared>> -> memref<640x64xf32, #tpu.memory_space<vmem_shared>>
      tpu.wait_dma2 semaphore(%run_scoped3A_647 : memref<!tpu.dma_semaphore, #tpu.memory_space<semaphore_mem>>) src(%dma_wait3A_657 : memref<640x64xf32, #tpu.memory_space<vmem_shared>>) dst(%dma_wait3A_655 : memref<640x64xf32, #tpu.memory_space<hbm>>)
      tpu.yield
    }) : () -> ()
    return
  }
}

module attributes {stable_mosaic.version = 14 : i64} {
  func.func @_mlp_body(%arg0: i32, %arg1: i32, %arg2: memref<1x1xf32, #tpu.memory_space<smem>>, %arg3: memref<5000x128xf32, #tpu.memory_space<vmem>>, %arg4: memref<2x5000x64xf32, #tpu.memory_space<vmem>>, %arg5: memref<128x256xf32, #tpu.memory_space<vmem>>, %arg6: memref<1x256xf32, #tpu.memory_space<vmem>>, %arg7: memref<1x256xf32, #tpu.memory_space<vmem>>, %arg8: memref<1x256xf32, #tpu.memory_space<vmem>>, %arg9: memref<256x128xf32, #tpu.memory_space<vmem>>, %arg10: memref<1x128xf32, #tpu.memory_space<vmem>>, %arg11: memref<5000x128xf32, #tpu.memory_space<vmem>>, %arg12: memref<10000x256xf32, #tpu.memory_space<vmem>>, %arg13: memref<2x256xf32, #tpu.memory_space<vmem>>) attributes {dimension_semantics = [#tpu.dimension_semantics<arbitrary>, #tpu.dimension_semantics<arbitrary>], iteration_bounds = array<i64: 2, 2>, scalar_prefetch = 0 : i64, scratch_operands = 2 : i64, tpu.core_type = #tpu.core_type<tc>, window_params = [{transform_indices = @transform_0, window_bounds = array<i64: 1, 1>}, {transform_indices = @transform_1, window_bounds = array<i64: 5000, 128>}, {transform_indices = @transform_2, window_bounds = array<i64: 2, 5000, 64>}, {pipeline_mode = #tpu.pipeline_mode<synchronous>, transform_indices = @transform_3, window_bounds = array<i64: 128, 256>}, {pipeline_mode = #tpu.pipeline_mode<synchronous>, transform_indices = @transform_4, window_bounds = array<i64: 1, 256>}, {pipeline_mode = #tpu.pipeline_mode<synchronous>, transform_indices = @transform_5, window_bounds = array<i64: 1, 256>}, {pipeline_mode = #tpu.pipeline_mode<synchronous>, transform_indices = @transform_6, window_bounds = array<i64: 1, 256>}, {pipeline_mode = #tpu.pipeline_mode<synchronous>, transform_indices = @transform_7, window_bounds = array<i64: 256, 128>}, {pipeline_mode = #tpu.pipeline_mode<synchronous>, transform_indices = @transform_8, window_bounds = array<i64: 1, 128>}, {transform_indices = @transform_9, window_bounds = array<i64: 5000, 128>}]} {
    %eq3A = arith.constant 0 : i32
    %eq3A_0 = arith.cmpi eq, %arg0, %eq3A : i32
    %convert_element_type3A = arith.extui %eq3A_0 : i1 to i32
    %cond3A = arith.constant 0 : i32
    %cond3A_1 = arith.cmpi ne, %convert_element_type3A, %cond3A : i32
    scf.if %cond3A_1 {
      %get3A = arith.constant 0 : index
      %get3A_7 = arith.constant 0 : index
      %get3A_8 = memref.load %arg2[%get3A, %get3A_7] : memref<1x1xf32, #tpu.memory_space<smem>>
      %add3A = arith.constant 1.000000e+00 : f32
      %add3A_9 = arith.addf %add3A, %get3A_8 : f32
      %get3A_10 = arith.constant 0 : index
      %get3A_11 = arith.constant 0 : index
      %get3A_12 = vector.load %arg3[%get3A_10, %get3A_11] : memref<5000x128xf32, #tpu.memory_space<vmem>>, vector<5000x64xf32>
      %mul3A = vector.broadcast %add3A_9 : f32 to vector<5000x64xf32>
      %mul3A_13 = arith.mulf %mul3A, %get3A_12 : vector<5000x64xf32>
      %get3A_14 = arith.constant 0 : index
      %get3A_15 = arith.constant 0 : index
      %get3A_16 = arith.constant 0 : index
      %get3A_17 = vector.load %arg4[%get3A_14, %get3A_15, %get3A_16] : memref<2x5000x64xf32, #tpu.memory_space<vmem>>, vector<1x5000x64xf32>
      %get3A_18 = vector.shape_cast %get3A_17 : vector<1x5000x64xf32> to vector<5000x64xf32>
      %add3A_19 = arith.addf %mul3A_13, %get3A_18 : vector<5000x64xf32>
      %get3A_20 = arith.constant 0 : index
      %get3A_21 = arith.constant 64 : index
      %get3A_22 = vector.load %arg3[%get3A_20, %get3A_21] : memref<5000x128xf32, #tpu.memory_space<vmem>>, vector<5000x64xf32>
      %mul3A_23 = vector.broadcast %add3A_9 : f32 to vector<5000x64xf32>
      %mul3A_24 = arith.mulf %mul3A_23, %get3A_22 : vector<5000x64xf32>
      %get3A_25 = arith.constant 1 : index
      %get3A_26 = arith.constant 0 : index
      %get3A_27 = arith.constant 0 : index
      %get3A_28 = vector.load %arg4[%get3A_25, %get3A_26, %get3A_27] : memref<2x5000x64xf32, #tpu.memory_space<vmem>>, vector<1x5000x64xf32>
      %get3A_29 = vector.shape_cast %get3A_28 : vector<1x5000x64xf32> to vector<5000x64xf32>
      %add3A_30 = arith.addf %mul3A_24, %get3A_29 : vector<5000x64xf32>
      %get3A_31 = arith.constant 0 : index
      %get3A_32 = arith.constant 0 : index
      %get3A_33 = vector.load %arg5[%get3A_31, %get3A_32] : memref<128x256xf32, #tpu.memory_space<vmem>>, vector<64x256xf32>
      %dot_general3A = arith.constant dense<0.000000e+00> : vector<5000x256xf32>
      %dot_general3A_34 = tpu.matmul %add3A_19, %get3A_33, %dot_general3A {dimension_numbers = #tpu.dot_dimension_numbers<[1], [0], [0], [1], [0, 0, 1, 1], [], []>, transpose_lhs_hint = false} : vector<5000x64xf32>, vector<64x256xf32>, vector<5000x256xf32> -> vector<5000x256xf32>
      %get3A_35 = arith.constant 64 : index
      %get3A_36 = arith.constant 0 : index
      %get3A_37 = vector.load %arg5[%get3A_35, %get3A_36] : memref<128x256xf32, #tpu.memory_space<vmem>>, vector<64x256xf32>
      %dot_general3A_38 = arith.constant dense<0.000000e+00> : vector<5000x256xf32>
      %dot_general3A_39 = tpu.matmul %add3A_30, %get3A_37, %dot_general3A_38 {dimension_numbers = #tpu.dot_dimension_numbers<[1], [0], [0], [1], [0, 0, 1, 1], [], []>, transpose_lhs_hint = false} : vector<5000x64xf32>, vector<64x256xf32>, vector<5000x256xf32> -> vector<5000x256xf32>
      %add3A_40 = arith.addf %dot_general3A_34, %dot_general3A_39 : vector<5000x256xf32>
      %get3A_41 = arith.constant 0 : index
      %get3A_42 = arith.constant 0 : index
      %get3A_43 = vector.load %arg6[%get3A_41, %get3A_42] : memref<1x256xf32, #tpu.memory_space<vmem>>, vector<1x256xf32>
      %add3A_44 = vector.broadcast %get3A_43 : vector<1x256xf32> to vector<5000x256xf32>
      %add3A_45 = arith.addf %add3A_40, %add3A_44 : vector<5000x256xf32>
      %mul3A_46 = arith.constant 5000 : i32
      %mul3A_47 = arith.muli %arg1, %mul3A_46 : i32
      %swap3A = arith.index_cast %mul3A_47 : i32 to index
      %swap3A_48 = arith.constant 0 : index
      %swap3A_49 = vector.load %arg12[%swap3A, %swap3A_48] : memref<10000x256xf32, #tpu.memory_space<vmem>>, vector<5000x256xf32>
      tpu.vector_store %arg12[%swap3A, %swap3A_48], %add3A_45 {strides = array<i32>} : memref<10000x256xf32, #tpu.memory_space<vmem>>, vector<5000x256xf32>,
      %eq3A_50 = arith.constant 0 : i32
      %eq3A_51 = arith.cmpi eq, %arg1, %eq3A_50 : i32
      %convert_element_type3A_52 = arith.extui %eq3A_51 : i1 to i32
      %cond3A_53 = arith.constant 0 : i32
      %cond3A_54 = arith.cmpi ne, %convert_element_type3A_52, %cond3A_53 : i32
      scf.if %cond3A_54 {
        %broadcast_in_dim3A_74 = arith.constant 0.000000e+00 : f32
        %broadcast_in_dim3A_75 = vector.broadcast %broadcast_in_dim3A_74 : f32 to vector<2x256xf32>
        %swap3A_76 = arith.constant 0 : index
        %swap3A_77 = arith.constant 0 : index
        %swap3A_78 = vector.load %arg13[%swap3A_76, %swap3A_77] : memref<2x256xf32, #tpu.memory_space<vmem>>, vector<2x256xf32>
        tpu.vector_store %arg13[%swap3A_76, %swap3A_77], %broadcast_in_dim3A_75 {strides = array<i32>} : memref<2x256xf32, #tpu.memory_space<vmem>>, vector<2x256xf32>,
      } else {
      }
      %get3A_55 = arith.constant 0 : index
      %get3A_56 = arith.constant 0 : index
      %get3A_57 = vector.load %arg13[%get3A_55, %get3A_56] : memref<2x256xf32, #tpu.memory_space<vmem>>, vector<1x256xf32>
      %reduce_sum3A = arith.constant dense<0.000000e+00> : vector<256xf32>
      %reduce_sum3A_58 = vector.multi_reduction <add>, %add3A_45, %reduce_sum3A [0] : vector<5000x256xf32> to vector<256xf32>
      %broadcast_in_dim3A = vector.shape_cast %reduce_sum3A_58 : vector<256xf32> to vector<1x256xf32>
      %add3A_59 = arith.addf %get3A_57, %broadcast_in_dim3A : vector<1x256xf32>
      %swap3A_60 = arith.constant 0 : index
      %swap3A_61 = arith.constant 0 : index
      %swap3A_62 = vector.load %arg13[%swap3A_60, %swap3A_61] : memref<2x256xf32, #tpu.memory_space<vmem>>, vector<1x256xf32>
      tpu.vector_store %arg13[%swap3A_60, %swap3A_61], %add3A_59 {strides = array<i32>} : memref<2x256xf32, #tpu.memory_space<vmem>>, vector<1x256xf32>,
      %get3A_63 = arith.constant 1 : index
      %get3A_64 = arith.constant 0 : index
      %get3A_65 = vector.load %arg13[%get3A_63, %get3A_64] : memref<2x256xf32, #tpu.memory_space<vmem>>, vector<1x256xf32>
      %mul3A_66 = arith.mulf %add3A_45, %add3A_45 : vector<5000x256xf32>
      %reduce_sum3A_67 = arith.constant dense<0.000000e+00> : vector<256xf32>
      %reduce_sum3A_68 = vector.multi_reduction <add>, %mul3A_66, %reduce_sum3A_67 [0] : vector<5000x256xf32> to vector<256xf32>
      %broadcast_in_dim3A_69 = vector.shape_cast %reduce_sum3A_68 : vector<256xf32> to vector<1x256xf32>
      %add3A_70 = arith.addf %get3A_65, %broadcast_in_dim3A_69 : vector<1x256xf32>
      %swap3A_71 = arith.constant 1 : index
      %swap3A_72 = arith.constant 0 : index
      %swap3A_73 = vector.load %arg13[%swap3A_71, %swap3A_72] : memref<2x256xf32, #tpu.memory_space<vmem>>, vector<1x256xf32>
      tpu.vector_store %arg13[%swap3A_71, %swap3A_72], %add3A_70 {strides = array<i32>} : memref<2x256xf32, #tpu.memory_space<vmem>>, vector<1x256xf32>,
    } else {
    }
    %eq3A_2 = arith.constant 1 : i32
    %eq3A_3 = arith.cmpi eq, %arg0, %eq3A_2 : i32
    %convert_element_type3A_4 = arith.extui %eq3A_3 : i1 to i32
    %cond3A_5 = arith.constant 0 : i32
    %cond3A_6 = arith.cmpi ne, %convert_element_type3A_4, %cond3A_5 : i32
    scf.if %cond3A_6 {
      %get3A = arith.constant 0 : index
      %get3A_7 = arith.constant 0 : index
      %get3A_8 = vector.load %arg13[%get3A, %get3A_7] : memref<2x256xf32, #tpu.memory_space<vmem>>, vector<1x256xf32>
      %div3A = arith.constant 1.000000e+04 : f32
      %div3A_9 = vector.broadcast %div3A : f32 to vector<1x256xf32>
      %div3A_10 = arith.divf %get3A_8, %div3A_9 : vector<1x256xf32>
      %get3A_11 = arith.constant 1 : index
      %get3A_12 = arith.constant 0 : index
      %get3A_13 = vector.load %arg13[%get3A_11, %get3A_12] : memref<2x256xf32, #tpu.memory_space<vmem>>, vector<1x256xf32>
      %div3A_14 = arith.constant 1.000000e+04 : f32
      %div3A_15 = vector.broadcast %div3A_14 : f32 to vector<1x256xf32>
      %div3A_16 = arith.divf %get3A_13, %div3A_15 : vector<1x256xf32>
      %mul3A = arith.mulf %div3A_10, %div3A_10 : vector<1x256xf32>
      %sub3A = arith.subf %div3A_16, %mul3A : vector<1x256xf32>
      %get3A_17 = arith.constant 0 : index
      %get3A_18 = arith.constant 0 : index
      %get3A_19 = vector.load %arg7[%get3A_17, %get3A_18] : memref<1x256xf32, #tpu.memory_space<vmem>>, vector<1x256xf32>
      %add3A = arith.constant 9.99999974E-6 : f32
      %add3A_20 = vector.broadcast %add3A : f32 to vector<1x256xf32>
      %add3A_21 = arith.addf %sub3A, %add3A_20 : vector<1x256xf32>
      %rsqrt3A = math.rsqrt %add3A_21 : vector<1x256xf32>
      %mul3A_22 = arith.mulf %get3A_19, %rsqrt3A : vector<1x256xf32>
      %get3A_23 = arith.constant 0 : index
      %get3A_24 = arith.constant 0 : index
      %get3A_25 = vector.load %arg8[%get3A_23, %get3A_24] : memref<1x256xf32, #tpu.memory_space<vmem>>, vector<1x256xf32>
      %mul3A_26 = arith.mulf %div3A_10, %mul3A_22 : vector<1x256xf32>
      %sub3A_27 = arith.subf %get3A_25, %mul3A_26 : vector<1x256xf32>
      %mul3A_28 = arith.constant 5000 : i32
      %mul3A_29 = arith.muli %arg1, %mul3A_28 : i32
      %get3A_30 = arith.index_cast %mul3A_29 : i32 to index
      %get3A_31 = arith.constant 0 : index
      %get3A_32 = vector.load %arg12[%get3A_30, %get3A_31] : memref<10000x256xf32, #tpu.memory_space<vmem>>, vector<5000x256xf32>
      %mul3A_33 = vector.broadcast %mul3A_22 : vector<1x256xf32> to vector<5000x256xf32>
      %mul3A_34 = arith.mulf %get3A_32, %mul3A_33 : vector<5000x256xf32>
      %add3A_35 = vector.broadcast %sub3A_27 : vector<1x256xf32> to vector<5000x256xf32>
      %add3A_36 = arith.addf %mul3A_34, %add3A_35 : vector<5000x256xf32>
      %gt3A = arith.constant 0.000000e+00 : f32
      %gt3A_37 = vector.broadcast %gt3A : f32 to vector<5000x256xf32>
      %gt3A_38 = arith.cmpf ogt, %add3A_36, %gt3A_37 : vector<5000x256xf32>
      %min3A = arith.constant 0.000000e+00 : f32
      %min3A_39 = vector.broadcast %min3A : f32 to vector<5000x256xf32>
      %min3A_40 = arith.minimumf %add3A_36, %min3A_39 : vector<5000x256xf32>
      %exp3A = math.exp %min3A_40 : vector<5000x256xf32>
      %sub3A_41 = arith.constant 1.000000e+00 : f32
      %sub3A_42 = vector.broadcast %sub3A_41 : f32 to vector<5000x256xf32>
      %sub3A_43 = arith.subf %exp3A, %sub3A_42 : vector<5000x256xf32>
      %select_n3A = arith.select %gt3A_38, %add3A_36, %sub3A_43 : vector<5000x256xi1>, vector<5000x256xf32>
      %get3A_44 = arith.constant 0 : index
      %get3A_45 = arith.constant 0 : index
      %get3A_46 = vector.load %arg9[%get3A_44, %get3A_45] : memref<256x128xf32, #tpu.memory_space<vmem>>, vector<256x128xf32>
      %dot_general3A = arith.constant dense<0.000000e+00> : vector<5000x128xf32>
      %dot_general3A_47 = tpu.matmul %select_n3A, %get3A_46, %dot_general3A {dimension_numbers = #tpu.dot_dimension_numbers<[1], [0], [0], [1], [0, 0, 1, 1], [], []>, transpose_lhs_hint = false} : vector<5000x256xf32>, vector<256x128xf32>, vector<5000x128xf32> -> vector<5000x128xf32>
      %get3A_48 = arith.constant 0 : index
      %get3A_49 = arith.constant 0 : index
      %get3A_50 = vector.load %arg10[%get3A_48, %get3A_49] : memref<1x128xf32, #tpu.memory_space<vmem>>, vector<1x128xf32>
      %add3A_51 = vector.broadcast %get3A_50 : vector<1x128xf32> to vector<5000x128xf32>
      %add3A_52 = arith.addf %dot_general3A_47, %add3A_51 : vector<5000x128xf32>
      %swap3A = arith.constant 0 : index
      %swap3A_53 = arith.constant 0 : index
      %swap3A_54 = vector.load %arg11[%swap3A, %swap3A_53] : memref<5000x128xf32, #tpu.memory_space<vmem>>, vector<5000x128xf32>
      tpu.vector_store %arg11[%swap3A, %swap3A_53], %add3A_52 {strides = array<i32>} : memref<5000x128xf32, #tpu.memory_space<vmem>>, vector<5000x128xf32>,
    } else {
    }
    return
  }
  func.func @transform_0(%arg0: i32, %arg1: i32) -> (i32, i32) {
    %c0_i32 = arith.constant 0 : i32
    %c0_i32_0 = arith.constant 0 : i32
    %c0_i32_1 = arith.constant 0 : i32
    return %c0_i32, %c0_i32_0 : i32, i32
  }
  func.func @transform_1(%arg0: i32, %arg1: i32) -> (i32, i32) {
    %sub3A = arith.constant 1 : i32
    %sub3A_0 = arith.subi %sub3A, %arg0 : i32
    %mul3A = arith.muli %arg1, %sub3A_0 : i32
    %c0_i32 = arith.constant 0 : i32
    %c0_i32_1 = arith.constant 0 : i32
    return %mul3A, %c0_i32 : i32, i32
  }
  func.func @transform_2(%arg0: i32, %arg1: i32) -> (i32, i32, i32) {
    %sub3A = arith.constant 1 : i32
    %sub3A_0 = arith.subi %sub3A, %arg0 : i32
    %mul3A = arith.muli %arg1, %sub3A_0 : i32
    %c0_i32 = arith.constant 0 : i32
    %c0_i32_1 = arith.constant 0 : i32
    %c0_i32_2 = arith.constant 0 : i32
    return %c0_i32, %mul3A, %c0_i32_1 : i32, i32, i32
  }
  func.func @transform_3(%arg0: i32, %arg1: i32) -> (i32, i32) {
    %c0_i32 = arith.constant 0 : i32
    %c0_i32_0 = arith.constant 0 : i32
    %c0_i32_1 = arith.constant 0 : i32
    return %c0_i32, %c0_i32_0 : i32, i32
  }
  func.func @transform_4(%arg0: i32, %arg1: i32) -> (i32, i32) {
    %c0_i32 = arith.constant 0 : i32
    %c0_i32_0 = arith.constant 0 : i32
    %c0_i32_1 = arith.constant 0 : i32
    return %c0_i32, %c0_i32_0 : i32, i32
  }
  func.func @transform_5(%arg0: i32, %arg1: i32) -> (i32, i32) {
    %c0_i32 = arith.constant 0 : i32
    %c0_i32_0 = arith.constant 0 : i32
    %c0_i32_1 = arith.constant 0 : i32
    return %c0_i32, %c0_i32_0 : i32, i32
  }
  func.func @transform_6(%arg0: i32, %arg1: i32) -> (i32, i32) {
    %c0_i32 = arith.constant 0 : i32
    %c0_i32_0 = arith.constant 0 : i32
    %c0_i32_1 = arith.constant 0 : i32
    return %c0_i32, %c0_i32_0 : i32, i32
  }
  func.func @transform_7(%arg0: i32, %arg1: i32) -> (i32, i32) {
    %c0_i32 = arith.constant 0 : i32
    %c0_i32_0 = arith.constant 0 : i32
    %c0_i32_1 = arith.constant 0 : i32
    return %c0_i32, %c0_i32_0 : i32, i32
  }
  func.func @transform_8(%arg0: i32, %arg1: i32) -> (i32, i32) {
    %c0_i32 = arith.constant 0 : i32
    %c0_i32_0 = arith.constant 0 : i32
    %c0_i32_1 = arith.constant 0 : i32
    return %c0_i32, %c0_i32_0 : i32, i32
  }
  func.func @transform_9(%arg0: i32, %arg1: i32) -> (i32, i32) {
    %mul3A = arith.muli %arg1, %arg0 : i32
    %c0_i32 = arith.constant 0 : i32
    %c0_i32_0 = arith.constant 0 : i32
    return %mul3A, %c0_i32 : i32, i32
  }
}

</mosaic_0001>

<sc_bundles>
// kernel: kernel.4.cloned.1.call-start
scs
__scs_entry_jumppad:
0x0: {  	(pc) =	sbr.rel $0x88, $3  }
0x1: {  	(tag) =	ssettag $0x0;
	lr =	simm.s32 $0x1  }
0x2: {  	[smem:$0x3F98] =	sst lr;
	_ =	strace $0xD0000000  }
0x3: {  	_ = 	snop  }
0x4: {  	_ = 	snop  }
0x5: {  	_ = 	snop  }
0x6: {  	_ = 	snop  }
0x7: {  	_ = 	snop  }
__scs_overlays_trampoline_lowered:
0x8: {  	[smem:$0x3FA7] =	sst s0  }
0x9: {  	[smem:$0x3FA8] =	sst s1  }
0xa: {  	[smem:$0x3FA9] =	sst s2  }
0xb: {  	[smem:$0x3FAA] =	sst s3  }
0xc: {  	[smem:$0x3FAB] =	sst s4  }
0xd: {  	[smem:$0x3FAC] =	sst s5  }
0xe: {  	[smem:$0x3FAD] =	sst s6  }
0xf: {  	[smem:$0x3FAE] =	sst s7  }
0x10: {  	[smem:$0x3FAF] =	sst s8  }
0x11: {  	[smem:$0x3FB0] =	sst s9;
	s0 =	simm.s32 @!p0 $0x0  }
0x12: {  	s1 =	sld [smem:$0x3F96];
	s0 =	simm.s32 @p0 $0x1  }
0x13: {  	[smem:$0x3FB1] =	sst s0;
	s0 =	simm.s32 @!p1 $0x0  }
0x14: {  	s2 =	sld [smem:$0x3F95];
	s0 =	simm.s32 @p1 $0x1  }
0x15: {  	[smem:$0x3FB2] =	sst s0;
	s0 =	simm.s32 @!p2 $0x0  }
0x16: {  	s3 =	sld [smem:$0x3FDB];
	s0 =	simm.s32 @p2 $0x1  }
0x17: {  	s4 =	simm.s32 $0x1BF5;
	[smem:$0x3FB4] =	sst s0  }
0x18: {  	s0 =	sld [smem:$0x3F97];
	_ =	swait.ge [sflag:s4], $0x0  }
0x19: {  	s7 =	sld [smem:$0x3F98]  }
0x1a: {  	s8 =	sadd.s32 $0xFFFFE003, lr  }
0x1b: {  	s9 =	sadd.s32 $0xFFFFFEF7, lr;
	s5 =	simm.s32 $0xFFFFFFFF;
	p2 =	slt.u32 s8, $0xFFFFF086  }
0x1c: {  	p1 =	slt.u32 s9, $0xF7A;
	s5 =	simm.s32 @!p2 $0x0  }
0x1d: {  	s5 =	simm.s32 @p1 $0x1;
	p0 =	seq.s32 s7, s2  }
0x1e: {  	s7 =	smul.u32 @!p0 $0xF7A, s2;
	p2 =	seq.s32 @!p0 s5, $0x0  }
0x1f: {  	s9 =	smul.u32 $0xF7A, s1;
	s8 =	simm.s32 @!p0 $0x1BF5;
	p2 =	por !p2, p0  }
0x20: {  	[sflag:s8] =	ssyncset.s32 @!p0 $0xFFFFF086;
	s6 =	sadd.s32 @!p0 s3, s7;
	s7 =	simm.s32 @!p0 $0x108  }
0x21: {  	s3 =	sadd.s32 s3, s9;
	s6 =	sadd.s32 @!p0 $0x88, s6;
	s7 =	simm.s32 @p2 $0x1082  }
0x22: {  	[simem:s7], [sflag:s8] =	dma.local @!p0 [hbm:s6], $0xF7A  }
0x23: {  	s9 =	sor.u32 $0xD0000000, s2;
	s6 =	simm.s32 $0x108;
	_ =	swait.ge @!p0 [sflag:s8], $0x0  }
0x24: {  	s3 =	sadd.s32 $0x88, s3;
	s6 =	simm.s32 @!p1 $0x1082;
	[sflag:s4] =	ssyncset.s32 $0xFFFFF086  }
0x25: {  	[simem:s6], [sflag:s4] =	dma.local [hbm:s3], $0xF7A  }
0x26: {  	[smem:$0x3F98] =	sst s1;
	(tag) =	ssettag s2;
	_ =	strace s9  }
0x27: {  	s1 =	sld [smem:$0x3FA8]  }
0x28: {  	s2 =	sld [smem:$0x3FA9]  }
0x29: {  	s4 =	sld [smem:$0x3FAB]  }
0x2a: {  	p0 =	seq.s32 s5, $0x0;
	s5 =	sld [smem:$0x3FAC]  }
0x2b: {  	s6 =	sld [smem:$0x3FAD]  }
0x2c: {  	s7 =	sld [smem:$0x3FAE]  }
0x2d: {  	s3 =	simm.s32 $0x108;
	s8 =	sld [smem:$0x3FAF]  }
0x2e: {  	s3 =	simm.s32 @!p0 $0x1082;
	s9 =	sld [smem:$0x3FB0]  }
0x2f: {  	lr =	sadd.s32 s0, s3;
	s0 =	sld [smem:$0x3FA7]  }
0x30: {  	s3 =	sld [smem:$0x3FAA]  }
0x31: {  	[smem:$0x3FB3] =	sst s10  }
0x32: {  	s10 =	sld [smem:$0x3FB1];
	_ =	sdelay $0x3  }
0x33: {  	p0 =	seq.s32 s10, $0x1;
	s10 =	sld [smem:$0x3FB3];
	_ =	sdelay $0x3  }
0x34: {  	[smem:$0x3FB3] =	sst s10  }
0x35: {  	s10 =	sld [smem:$0x3FB2];
	_ =	sdelay $0x3  }
0x36: {  	p1 =	seq.s32 s10, $0x1;
	s10 =	sld [smem:$0x3FB3];
	_ =	sdelay $0x3  }
0x37: {  	[smem:$0x3FB3] =	sst s10  }
0x38: {  	s10 =	sld [smem:$0x3FB4]  }
0x39: {  	_ = 	snop;
	(pc) =	sbr.ind lr, $3  }
0x3a: {  	_ = 	snop  }
0x3b: {  	_ = 	snop  }
0x3c: {  	p2 =	seq.s32 s10, $0x1;
	s10 =	sld [smem:$0x3FB3]  }
0x3d: {  	_ =	shalt  }
0x3e: {  	_ =	shalt  }
0x3f: {  	_ =	shalt  }
0x40: {  	_ =	shalt  }
0x41: {  	_ =	shalt  }
0x42: {  	_ =	shalt  }
0x43: {  	_ =	shalt  }
0x44: {  	_ =	shalt  }
0x45: {  	_ =	shalt  }
0x46: {  	_ =	shalt  }
0x47: {  	_ =	shalt  }
0x48: {  	_ =	shalt  }
0x49: {  	_ =	shalt  }
0x4a: {  	_ =	shalt  }
0x4b: {  	_ =	shalt  }
0x4c: {  	_ =	shalt  }
0x4d: {  	_ =	shalt  }
0x4e: {  	_ =	shalt  }
0x4f: {  	_ =	shalt  }
0x50: {  	_ =	shalt  }
0x51: {  	_ =	shalt  }
0x52: {  	_ =	shalt  }
0x53: {  	_ =	shalt  }
0x54: {  	_ =	shalt  }
0x55: {  	_ =	shalt  }
0x56: {  	_ =	shalt  }
0x57: {  	_ =	shalt  }
0x58: {  	_ =	shalt  }
0x59: {  	_ =	shalt  }
0x5a: {  	_ =	shalt  }
0x5b: {  	_ =	shalt  }
0x5c: {  	_ =	shalt  }
0x5d: {  	_ =	shalt  }
0x5e: {  	_ =	shalt  }
0x5f: {  	_ =	shalt  }
0x60: {  	_ =	shalt  }
0x61: {  	_ =	shalt  }
0x62: {  	_ =	shalt  }
0x63: {  	_ =	shalt  }
0x64: {  	_ =	shalt  }
0x65: {  	_ =	shalt  }
0x66: {  	_ =	shalt  }
0x67: {  	_ =	shalt  }
0x68: {  	_ =	shalt  }
0x69: {  	_ =	shalt  }
0x6a: {  	_ =	shalt  }
0x6b: {  	_ =	shalt  }
0x6c: {  	_ =	shalt  }
0x6d: {  	_ =	shalt  }
0x6e: {  	_ =	shalt  }
0x6f: {  	_ =	shalt  }
0x70: {  	_ =	shalt  }
0x71: {  	_ =	shalt  }
0x72: {  	_ =	shalt  }
0x73: {  	_ =	shalt  }
0x74: {  	_ =	shalt  }
0x75: {  	_ =	shalt  }
0x76: {  	_ =	shalt  }
0x77: {  	_ =	shalt  }
0x78: {  	_ =	shalt  }
0x79: {  	_ =	shalt  }
0x7a: {  	_ =	shalt  }
0x7b: {  	_ =	shalt  }
0x7c: {  	_ =	shalt  }
0x7d: {  	_ =	shalt  }
0x7e: {  	_ =	shalt  }
0x7f: {  	_ =	shalt  }
0x80: {  	_ =	shalt  }
0x81: {  	_ =	shalt  }
0x82: {  	_ =	shalt  }
0x83: {  	_ =	shalt  }
0x84: {  	_ =	shalt  }
0x85: {  	_ =	shalt  }
0x86: {  	_ =	shalt  }
0x87: {  	_ =	shalt  }
.Lfunc_end0:
.L_simem_size_0:
called_computation_lowered:
.L_overlay_start_0:
0x88: {  	s2 =	sld [smem:$0x3FD9]  }
0x89: {  	s3 =	sld [smem:$0x3FFE];
	_ =	sdelay $0x1  }
0x8a: {  	s1 =	srdreg.scid  }
0x8b: {  	s0 =	sand.u32 $0x1, s1  }
0x8c: {  	s17 =	sshll.u32 s0, $0xA;
	s2 =	sadd.s32 s3, s2  }
0x8d: {  	s2 =	sadd.s32 s2, s17  }
0x8e: {  	[smem:$0x3FBF] =	sst s2  }
0x8f: {  	_ = 	snop  }
0x90: {  	s2 =	sld [smem:$0x3FC9]  }
0x91: {  	s18 =	sld [smem:$0x3FD0];
	(tm) =	ssettm $0x1  }
0x92: {  	s4 =	sld [smem:$0x3FFB];
	_ =	sdelay $0x3  }
0x93: {  	_ =	strace s4  }
0x94: {  	s4 =	sld [smem:$0x3FFC];
	_ =	sdelay $0x3  }
0x95: {  	_ =	strace s4  }
0x96: {  	s4 =	sld [smem:$0x3FFD];
	_ =	sdelay $0x3  }
0x97: {  	_ =	strace s4  }
0x98: {  	_ =	strace $0x8FFFFFFF  }
0x99: {  	s19 =	sld [smem:$0x3FDB];
	_ =	sdelay $0x1  }
0x9a: {  	s5 =	simm.s32 $_scs_section_size  }
0x9b: {  	s6 =	simm.s32 $_size__tile_overlayer_lowered;
	s7 =	simm.s32 $_tile_overlayer_lowered  }
0x9c: {  	s22 =	simm.s32 $0x1BFF;
	s21 =	sshll.u32 s7, $0x1;
	s4 =	sadd.s32 s5, s19  }
0x9d: {  	s8 =	simm.s32 $0x0;
	s20 =	sshll.u32 s6, $0x1;
	s6 =	sadd.s32 s21, s4  }
0x9e: {  	[timem:s8], [sflag:s22] =	dma.local [hbm:s6], s20  }
0x9f: {  	_ =	swait.ge [sflag:s22], s20  }
0xa0: {  	s5 =	ssub.s32 $0x0, s20;
	[sflag:s22] =	ssyncset.done $0x0  }
0xa1: {  	[sflag:s22] =	ssyncadd.s32 s5;
	_ =	sdelay $0x1  }
0xa2: {  	s23 =	simm.s32 $0x1B8B  }
0xa3: {  	_ =	swait.ge [sflag:s23], $0x1  }
0xa4: {  	[sflag:s23] =	ssyncset.done $0x0  }
0xa5: {  	s25 =	simm.s32 $0x1B8E;
	s24 =	sld [smem:$0x3FFE];
	[sflag:s23] =	ssyncadd.s32 $0xFFFFFFFF  }
0xa6: {  	s26 =	simm.s32 $execute0_lowered;
	[smem:$0x3FD2] =	sst s25  }
0xa7: {  	s6 =	sshll.u32 s26, $0x1;
	_ =	strace $0x80000046;
	[dreg:$0x1] =	wrdreg $0xFFFFFFFF  }
0xa8: {  	s28 =	simm.s32 $_size_execute0_lowered;
	s4 =	sadd.s32 s4, s6;
	[dreg:$0x0] =	wrdreg $0x0  }
0xa9: {  	s6 =	sshll.u32 s28, $0x1;
	[dreg:$0x2] =	wrdreg s4  }
0xaa: {  	[dreg:$0x3] =	wrdreg s6  }
0xab: {  	[dreg:$0x4] =	wrdreg $0xC0  }
0xac: {  	_ =	task [dreg:s8], $0x5FFFF  }
0xad: {  	[dreg:$0x1] =	wrdreg $0xFFFFFFFF  }
0xae: {  	[dreg:$0x0] =	wrdreg $0x60  }
0xaf: {  	[dreg:$0x2] =	wrdreg s2  }
0xb0: {  	[dreg:$0x3] =	wrdreg s18  }
0xb1: {  	[dreg:$0x4] =	wrdreg s24  }
0xb2: {  	[dreg:$0x5] =	wrdreg $0x100400  }
0xb3: {  	[dreg:$0x6] =	wrdreg $0x9  }
0xb4: {  	_ =	task.clear_ibuf [dreg:s8], $0x7FFFF;
	_ =	strace $0x90000046  }
0xb5: {  	s29 =	simm.s32 $0x9;
	_ =	strace $0x80000048  }
0xb6: {  	_ =	swait.ge [sflag:s29], $0x1  }
0xb7: {  	[sflag:s29] =	ssyncadd.s32 $0xFFFFFFFF  }
0xb8: {  	_ =	strace $0x90000048  }
0xb9: {  	_ =	sfence  }
0xba: {  	s30 =	sld [smem:$0x0];
	_ =	sdelay $0x2  }
0xbb: {  	s31 =	sshll.u32 s1, $0xD;
	s1 =	sshrl.u32 s1, $0x2  }
0xbc: {  	s3 =	sand.u32 $0x4000, s31;
	s1 =	sadd.s32 s1, s30  }
0xbd: {  	s0 =	sor.u32 s3, s0;
	s1 =	sshll.u32 s1, $0x11  }
0xbe: {  	s0 =	sor.u32 s1, s0  }
0xbf: {  	s0 =	sadd.s32 $0x8F2B, s0  }
0xc0: {  	[sflag:s0] =	ssyncadd.remote.s32 $0x1  }
0xc1: {  	_ =	sfence.sel $0xFFFF  }
0xc2: {  	[dreg:$0x0] =	wrdreg $0xFFFFFFFF;
	(pc) =	sbr.abs _section_cstart, $3  }
0xc3: {  	[dreg:$0x1] =	wrdreg $0xFFFFFFFF  }
0xc4: {  	_ =	task.clear_ibuf [dreg:s8], $0x2FFFF;
	_ =	strace $0x9FFFFFFF  }
0xc5: {  	(tm) =	ssettm $0x7FFFFFFF  }
tec
execute0_lowered:
.L_overlay_start_1:
0x0: {  	(tag) =	ssettag $0x1  }
0x1: {  	s1 =	rddreg [dreg:$0x0]  }
0x2: {  	s0 =	rddreg [dreg:$0x1]  }
0x3: {  	s2 =	rddreg [dreg:$0x2]  }
0x4: {  	s3 =	rddreg [dreg:$0x3]  }
0x5: {  	s5 =	srdreg.scid;
	s11 =	stileid.u32  }
0x6: {  	s4 =	simm.s32 $0x0;
	s13 =	simm.s32 $0xC;
	s15 =	simm.s32 $0xB  }
0x7: {  	s16 =	simm.s32 $0x50;
	s17 =	simm.s32 $0x9C40;
	s18 =	simm.s32 $0xB040  }
0x8: {  	s20 =	simm.s32 $0xC440;
	s22 =	simm.s32 $0xD840;
	s28 =	simm.s32 $0x3  }
0x9: {  	s29 =	simm.s32 $0x4;
	s30 =	simm.s32 $0x5;
	s31 =	simm.s32 $0x6  }
0xa: {  	s14 =	simm.s32 $0x9;
	s19 =	simm.s32 $0xA;
	s6 =	smul.u32 $0xA000, s11  }
0xb: {  	s5 =	sand.u32 $0x1, s5;
	[smem:$0x7FF] =	sst s4;
	s9 =	smul.u32 $0x4E20, s11  }
0xc: {  	s10 =	sadd.s32 $0x1800, s2;
	s7 =	smul.u32 $0xA0000, s5;
	s8 =	ssub.s32 $0x2, s5  }
0xd: {  	_ =	strace $0x80000047;
	[dreg:$0x5] =	wrdreg s10;
	s23 =	sshrl.u32 s8, $0x1  }
0xe: {  	s24 =	sshrl.u32 s9, $0x3;
	s12 =	sadd.s32 s6, s3;
	s7 =	sadd.s32 s6, s7  }
0xf: {  	s8 =	ssub.s32 s8, s23;
	s6 =	sshll.u32 s11, $0x6;
	s12 =	sshrl.u32 s12, $0x3  }
0x10: {  	s23 =	simm.s32 $0x0;
	s7 =	sshrl.u32 s7, $0x3;
	s25 =	sor.u32 $0x1C0B, s6  }
0x11: {  	s11 =	smax.u32 s8, $0x1;
	s2 =	sadd.s32 s7, s2;
	s7 =	sadd.s32 s0, s24  }
0x12: {  	[dreg:$0x6] =	wrdreg s25;
	s24 =	simm.s32 $0xEC40;
	s25 =	simm.s32 $0x1  }
0x13: {  	s0 =	simm.s32 $0x7;
	s26 =	sadd.s32 $0x9C40, s7;
	s10 =	sadd.s32 $0x2C00, s2  }
0x14: {  	v0 =	vmov s5;
	s2 =	simm.s32 $0x8;
	[dreg:$0x7] =	wrdreg s26;
	s26 =	simm.s32 $0x2  }
.LBB2_1:
0x15: {  	s5 =	rddreg [dreg:$0x5]  }
0x16: {  	s8 =	rddreg [dreg:$0x6]  }
0x17: {  	[spmem:s12], [sflag:s8] =	dma.local [hbm:s5], $0x1400  }
0x18: {  	[tilespmem:s4], [sflag:$0xC] =	stream.linear.gather [hbm4b:s7+s4], $0x4E20, $0x38;
	[tilespmem:$0x1A040] =	vst v63  }
0x19: {  	_ =	swait.ge [sflag:s13], $0x4E20  }
0x1a: {  	[sflag:s13] =	ssyncset.done $0x0  }
0x1b: {  	s9 =	simm.s32 $0x4E20;
	s8 =	rddreg [dreg:$0x7];
	[sflag:s13] =	ssyncadd.s32 $0xFFFFB1E0  }
0x1c: {  	[tilespmem:s9], [sflag:$0xC] =	stream.linear.gather [hbm4b:s8+s4], $0x4E20, $0x38;
	[tilespmem:$0x1A040] =	vst v63  }
0x1d: {  	_ =	swait.ge [sflag:s13], $0x4E20  }
0x1e: {  	[sflag:s13] =	ssyncset.done $0x0  }
0x1f: {  	[sflag:s13] =	ssyncadd.s32 $0xFFFFB1E0  }
0x20: {  	_ =	swait.ge [sflag:s15], $0x1400  }
0x21: {  	[sflag:s15] =	ssyncset.done $0x0  }
0x22: {  	[sflag:s15] =	ssyncadd.s32 $0xFFFFEC00  }
0x23: {  	[bflag:$0x0] =	sbarrier.arrive $0xFFFF  }
0x24: {  	v1 =	vld [tilespmem:$0x0]  }
0x25: {  	v2 =	vld [tilespmem:$0x10]  }
0x26: {  	v3 =	vld [tilespmem:$0x20]  }
0x27: {  	v4 =	vld [tilespmem:$0x30]  }
0x28: {  	v5 =	vld [tilespmem:$0x40]  }
0x29: {  	v1 =	vshll.u32 v1, $0x1  }
0x2a: {  	v2 =	vshll.u32 v2, $0x1;
	v1 =	vor.u32 v0, v1  }
0x2b: {  	[tilespmem:$0x0] =	vst v1;
	v1 =	vor.u32 v0, v2;
	v2 =	vshll.u32 v3, $0x1  }
0x2c: {  	[tilespmem:$0x10] =	vst v1;
	v1 =	vor.u32 v0, v2;
	v2 =	vshll.u32 v4, $0x1  }
0x2d: {  	[tilespmem:$0x20] =	vst v1;
	v1 =	vor.u32 v0, v2;
	v2 =	vshll.u32 v5, $0x1  }
0x2e: {  	[tilespmem:$0x30] =	vst v1;
	v1 =	vor.u32 v0, v2  }
0x2f: {  	[tilespmem:$0x40] =	vst v1  }
0x30: {  	[tilespmem:s17], [sflag:$0x1] =	stream.indirect.gather [hbm4b:s1+s16], $0x40, s4, s16, $0xb8;
	[tilespmem:$0x1A040] =	vst v63  }
0x31: {  	v1 =	vld [tilespmem:$0x50]  }
0x32: {  	v2 =	vld [tilespmem:$0x60]  }
0x33: {  	v3 =	vld [tilespmem:$0x70]  }
0x34: {  	v4 =	vld [tilespmem:$0x80]  }
0x35: {  	v5 =	vld [tilespmem:$0x90]  }
0x36: {  	v1 =	vshll.u32 v1, $0x1  }
0x37: {  	v2 =	vshll.u32 v2, $0x1;
	v1 =	vor.u32 v0, v1  }
0x38: {  	[tilespmem:$0x50] =	vst v1;
	v1 =	vor.u32 v0, v2;
	v2 =	vshll.u32 v3, $0x1  }
0x39: {  	[tilespmem:$0x60] =	vst v1;
	v1 =	vor.u32 v0, v2;
	v2 =	vshll.u32 v4, $0x1  }
0x3a: {  	[tilespmem:$0x70] =	vst v1;
	v1 =	vor.u32 v0, v2;
	v2 =	vshll.u32 v5, $0x1  }
0x3b: {  	[tilespmem:$0x80] =	vst v1;
	v1 =	vor.u32 v0, v2  }
0x3c: {  	[tilespmem:$0x90] =	vst v1  }
0x3d: {  	[tilespmem:s18], [sflag:$0x2] =	stream.indirect.gather [hbm4b:s1+s16], $0x40, s16, s16, $0xb8;
	[tilespmem:$0x1A040] =	vst v63  }
0x3e: {  	v1 =	vld [tilespmem:$0xA0]  }
0x3f: {  	v2 =	vld [tilespmem:$0xB0]  }
0x40: {  	v3 =	vld [tilespmem:$0xC0]  }
0x41: {  	v4 =	vld [tilespmem:$0xD0]  }
0x42: {  	v5 =	vld [tilespmem:$0xE0]  }
0x43: {  	v1 =	vshll.u32 v1, $0x1  }
0x44: {  	v2 =	vshll.u32 v2, $0x1;
	v1 =	vor.u32 v0, v1  }
0x45: {  	[tilespmem:$0xA0] =	vst v1;
	v1 =	vor.u32 v0, v2;
	v2 =	vshll.u32 v3, $0x1  }
0x46: {  	[tilespmem:$0xB0] =	vst v1;
	v1 =	vor.u32 v0, v2;
	v2 =	vshll.u32 v4, $0x1  }
0x47: {  	[tilespmem:$0xC0] =	vst v1;
	v1 =	vor.u32 v0, v2;
	v2 =	vshll.u32 v5, $0x1  }
0x48: {  	[tilespmem:$0xD0] =	vst v1;
	v1 =	vor.u32 v0, v2  }
0x49: {  	s21 =	simm.s32 $0xA0;
	[tilespmem:$0xE0] =	vst v1  }
0x4a: {  	[tilespmem:s20], [sflag:$0x3] =	stream.indirect.gather [hbm4b:s1+s16], $0x40, s21, s16, $0xb8;
	[tilespmem:$0x1A040] =	vst v63  }
0x4b: {  	v1 =	vld [tilespmem:$0xF0]  }
0x4c: {  	v2 =	vld [tilespmem:$0x100]  }
0x4d: {  	v3 =	vld [tilespmem:$0x110]  }
0x4e: {  	v4 =	vld [tilespmem:$0x120]  }
0x4f: {  	v5 =	vld [tilespmem:$0x130]  }
0x50: {  	v1 =	vshll.u32 v1, $0x1  }
0x51: {  	v2 =	vshll.u32 v2, $0x1;
	v1 =	vor.u32 v0, v1  }
0x52: {  	[tilespmem:$0xF0] =	vst v1;
	v1 =	vor.u32 v0, v2;
	v2 =	vshll.u32 v3, $0x1  }
0x53: {  	[tilespmem:$0x100] =	vst v1;
	v1 =	vor.u32 v0, v2;
	v2 =	vshll.u32 v4, $0x1  }
0x54: {  	[tilespmem:$0x110] =	vst v1;
	v1 =	vor.u32 v0, v2;
	v2 =	vshll.u32 v5, $0x1  }
0x55: {  	[tilespmem:$0x120] =	vst v1;
	v1 =	vor.u32 v0, v2  }
0x56: {  	s8 =	simm.s32 $0xF0;
	[tilespmem:$0x130] =	vst v1  }
0x57: {  	[tilespmem:s22], [sflag:$0x4] =	stream.indirect.gather [hbm4b:s1+s16], $0x40, s8, s16, $0xb8;
	[tilespmem:$0x1A040] =	vst v63  }
0x58: {  	v1 =	vld [tilespmem:$0x140]  }
0x59: {  	v2 =	vld [tilespmem:$0x150]  }
0x5a: {  	v3 =	vld [tilespmem:$0x160]  }
0x5b: {  	v4 =	vld [tilespmem:$0x170]  }
0x5c: {  	v5 =	vld [tilespmem:$0x180]  }
0x5d: {  	v1 =	vshll.u32 v1, $0x1  }
0x5e: {  	v2 =	vshll.u32 v2, $0x1;
	v1 =	vor.u32 v0, v1  }
0x5f: {  	[tilespmem:$0x140] =	vst v1;
	v1 =	vor.u32 v0, v2;
	v2 =	vshll.u32 v3, $0x1  }
0x60: {  	[tilespmem:$0x150] =	vst v1;
	v1 =	vor.u32 v0, v2;
	v2 =	vshll.u32 v4, $0x1  }
0x61: {  	[tilespmem:$0x160] =	vst v1;
	v1 =	vor.u32 v0, v2;
	v2 =	vshll.u32 v5, $0x1  }
0x62: {  	[tilespmem:$0x170] =	vst v1;
	v1 =	vor.u32 v0, v2  }
0x63: {  	s9 =	simm.s32 $0x140;
	[tilespmem:$0x180] =	vst v1  }
0x64: {  	[tilespmem:s24], [sflag:$0x5] =	stream.indirect.gather [hbm4b:s1+s16], $0x40, s9, s16, $0xb8;
	[tilespmem:$0x1A040] =	vst v63  }
0x65: {  	_ =	swait.ge [sflag:s25], $0x1400  }
0x66: {  	[sflag:s25] =	ssyncset.done $0x0  }
0x67: {  	s21 =	simm.s32 $0x4E20;
	[sflag:s25] =	ssyncadd.s32 $0xFFFFEC00  }
0x68: {  	[spmem:s3] =	stream.indirect.scatter.add.f32 [tilespmem:s17], [sflag:$0x6], $0x40, s21, s16, $0xb8;
	[tilespmem:$0x1A040] =	vst v63  }
0x69: {  	_ =	swait.ge [sflag:s26], $0x1400  }
0x6a: {  	[sflag:s26] =	ssyncset.done $0x0  }
0x6b: {  	s8 =	simm.s32 $0x4E70;
	[sflag:s26] =	ssyncadd.s32 $0xFFFFEC00  }
0x6c: {  	[spmem:s3] =	stream.indirect.scatter.add.f32 [tilespmem:s18], [sflag:$0x7], $0x40, s8, s16, $0xb8;
	[tilespmem:$0x1A040] =	vst v63  }
0x6d: {  	_ =	swait.ge [sflag:s28], $0x1400  }
0x6e: {  	[sflag:s28] =	ssyncset.done $0x0  }
0x6f: {  	s9 =	simm.s32 $0x4EC0;
	[sflag:s28] =	ssyncadd.s32 $0xFFFFEC00  }
0x70: {  	[spmem:s3] =	stream.indirect.scatter.add.f32 [tilespmem:s20], [sflag:$0x8], $0x40, s9, s16, $0xb8;
	[tilespmem:$0x1A040] =	vst v63  }
0x71: {  	_ =	swait.ge [sflag:s29], $0x1400  }
0x72: {  	[sflag:s29] =	ssyncset.done $0x0  }
0x73: {  	s21 =	simm.s32 $0x4F10;
	[sflag:s29] =	ssyncadd.s32 $0xFFFFEC00  }
0x74: {  	[spmem:s3] =	stream.indirect.scatter.add.f32 [tilespmem:s22], [sflag:$0x9], $0x40, s21, s16, $0xb8;
	[tilespmem:$0x1A040] =	vst v63  }
0x75: {  	_ =	swait.ge [sflag:s30], $0x1400  }
0x76: {  	[sflag:s30] =	ssyncset.done $0x0  }
0x77: {  	s8 =	simm.s32 $0x4F60;
	[sflag:s30] =	ssyncadd.s32 $0xFFFFEC00  }
0x78: {  	[spmem:s3] =	stream.indirect.scatter.add.f32 [tilespmem:s24], [sflag:$0xA], $0x40, s8, s16, $0xb8;
	[tilespmem:$0x1A040] =	vst v63  }
0x79: {  	_ =	swait.ge [sflag:s31], $0x1400  }
0x7a: {  	[sflag:s31] =	ssyncset.done $0x0  }
0x7b: {  	s21 =	simm.s32 $0x0;
	[sflag:s31] =	ssyncadd.s32 $0xFFFFEC00  }
0x7c: {  	v1 =	vld [tilespmem:s21+$0x1C0]  }
0x7d: {  	v2 =	vld [tilespmem:s21+$0x1A0]  }
0x7e: {  	v3 =	vld [tilespmem:s21+$0x190]  }
0x7f: {  	v4 =	vld [tilespmem:s21+$0x1B0]  }
0x80: {  	v5 =	vld [tilespmem:s21+$0x1D0]  }
0x81: {  	v1 =	vshll.u32 v1, $0x1  }
0x82: {  	v2 =	vshll.u32 v2, $0x1;
	v1 =	vor.u32 v0, v1  }
0x83: {  	v3 =	vshll.u32 v3, $0x1;
	v2 =	vor.u32 v0, v2;
	[tilespmem:s21+$0x1C0] =	vst v1  }
0x84: {  	v1 =	vor.u32 v0, v3;
	[tilespmem:s21+$0x1A0] =	vst v2;
	v2 =	vshll.u32 v4, $0x1  }
0x85: {  	[tilespmem:s21+$0x190] =	vst v1;
	v1 =	vor.u32 v0, v2;
	v2 =	vshll.u32 v5, $0x1  }
0x86: {  	[tilespmem:s21+$0x1B0] =	vst v1;
	v1 =	vor.u32 v0, v2  }
0x87: {  	s9 =	simm.s32 $0x190;
	[tilespmem:s21+$0x1D0] =	vst v1  }
0x88: {  	[tilespmem:s17], [sflag:$0x1] =	stream.indirect.gather [hbm4b:s1+s16], $0x40, s9, s16, $0xb8;
	[tilespmem:$0x1A040] =	vst v63  }
0x89: {  	_ =	swait.ge [sflag:s0], $0x1400  }
0x8a: {  	[sflag:s0] =	ssyncset.done $0x0  }
0x8b: {  	[sflag:s0] =	ssyncadd.s32 $0xFFFFEC00  }
0x8c: {  	v1 =	vld [tilespmem:s21+$0x1E0]  }
0x8d: {  	v2 =	vld [tilespmem:s21+$0x200]  }
0x8e: {  	v3 =	vld [tilespmem:s21+$0x210]  }
0x8f: {  	v4 =	vld [tilespmem:s21+$0x1F0]  }
0x90: {  	v5 =	vld [tilespmem:s21+$0x220]  }
0x91: {  	v1 =	vshll.u32 v1, $0x1  }
0x92: {  	v2 =	vshll.u32 v2, $0x1;
	v1 =	vor.u32 v0, v1  }
0x93: {  	[tilespmem:s21+$0x1E0] =	vst v1;
	v1 =	vor.u32 v0, v2;
	v2 =	vshll.u32 v3, $0x1  }
0x94: {  	v3 =	vshll.u32 v4, $0x1;
	[tilespmem:s21+$0x200] =	vst v1;
	v1 =	vor.u32 v0, v2  }
0x95: {  	v2 =	vshll.u32 v5, $0x1;
	v3 =	vor.u32 v0, v3;
	[tilespmem:s21+$0x210] =	vst v1  }
0x96: {  	v1 =	vor.u32 v0, v2;
	[tilespmem:s21+$0x1F0] =	vst v3  }
0x97: {  	s8 =	simm.s32 $0x1E0;
	[tilespmem:s21+$0x220] =	vst v1  }
0x98: {  	[tilespmem:s18], [sflag:$0x2] =	stream.indirect.gather [hbm4b:s1+s16], $0x40, s8, s16, $0xb8;
	[tilespmem:$0x1A040] =	vst v63  }
0x99: {  	_ =	swait.ge [sflag:s2], $0x1400  }
0x9a: {  	[sflag:s2] =	ssyncset.done $0x0  }
0x9b: {  	[sflag:s2] =	ssyncadd.s32 $0xFFFFEC00  }
0x9c: {  	v1 =	vld [tilespmem:s21+$0x250]  }
0x9d: {  	v2 =	vld [tilespmem:s21+$0x230]  }
0x9e: {  	v3 =	vld [tilespmem:s21+$0x240]  }
0x9f: {  	v4 =	vld [tilespmem:s21+$0x260]  }
0xa0: {  	v5 =	vld [tilespmem:s21+$0x270]  }
0xa1: {  	v1 =	vshll.u32 v1, $0x1  }
0xa2: {  	v2 =	vshll.u32 v2, $0x1;
	v1 =	vor.u32 v0, v1  }
0xa3: {  	v3 =	vshll.u32 v3, $0x1;
	v2 =	vor.u32 v0, v2;
	[tilespmem:s21+$0x250] =	vst v1  }
0xa4: {  	v1 =	vshll.u32 v4, $0x1;
	[tilespmem:s21+$0x230] =	vst v2;
	v2 =	vor.u32 v0, v3  }
0xa5: {  	v3 =	vshll.u32 v5, $0x1;
	v1 =	vor.u32 v0, v1;
	[tilespmem:s21+$0x240] =	vst v2  }
0xa6: {  	v2 =	vor.u32 v0, v3;
	[tilespmem:s21+$0x260] =	vst v1  }
0xa7: {  	s9 =	simm.s32 $0x230;
	[tilespmem:s21+$0x270] =	vst v2  }
0xa8: {  	[tilespmem:s20], [sflag:$0x3] =	stream.indirect.gather [hbm4b:s1+s16], $0x40, s9, s16, $0xb8;
	[tilespmem:$0x1A040] =	vst v63  }
0xa9: {  	_ =	swait.ge [sflag:s14], $0x1400  }
0xaa: {  	[sflag:s14] =	ssyncset.done $0x0  }
0xab: {  	[sflag:s14] =	ssyncadd.s32 $0xFFFFEC00  }
0xac: {  	v1 =	vld [tilespmem:s21+$0x2A0]  }
0xad: {  	v3 =	vld [tilespmem:s21+$0x2C0]  }
0xae: {  	v4 =	vld [tilespmem:s21+$0x290]  }
0xaf: {  	s5 =	simm.s32 $0x640;
	v2 =	vld [tilespmem:s21+$0x280]  }
.LBB2_2:
0xb0: {  	p0 =	sne.s32 s5, $0x12C00;
	v5 =	vld [tilespmem:s21+$0x2B0];
	s8 =	smov.u32 s5;
	s5 =	sadd.s32 $0x640, s5  }
0xb1: {  	_ = 	snop  }
0xb2: {  	v3 =	vshll.u32 v3, $0x1  }
0xb3: {  	v1 =	vshll.u32 v1, $0x1;
	v4 =	vshll.u32 v4, $0x1;
	v3 =	vor.u32 v0, v3  }
0xb4: {  	v1 =	vor.u32 v0, v1;
	v2 =	vshll.u32 v2, $0x1;
	v4 =	vor.u32 v0, v4;
	[tilespmem:s21+$0x2C0] =	vst v3  }
0xb5: {  	v2 =	vor.u32 v0, v2;
	[tilespmem:s21+$0x290] =	vst v4;
	v3 =	vshll.u32 v5, $0x1  }
0xb6: {  	[tilespmem:s21+$0x2A0] =	vst v1;
	v1 =	vor.u32 v0, v3  }
0xb7: {  	[tilespmem:s21+$0x2B0] =	vst v1  }
0xb8: {  	s9 =	sadd.s32 $0x280, s21;
	[tilespmem:s21+$0x280] =	vst v2  }
0xb9: {  	[tilespmem:s22], [sflag:$0x4] =	stream.indirect.gather [hbm4b:s1+s16], $0x40, s9, s16, $0xb8;
	[tilespmem:$0x1A040] =	vst v63  }
0xba: {  	_ =	swait.ge [sflag:s19], $0x1400  }
0xbb: {  	[sflag:s19] =	ssyncset.done $0x0  }
0xbc: {  	[sflag:s19] =	ssyncadd.s32 $0xFFFFEC00  }
0xbd: {  	v1 =	vld [tilespmem:s21+$0x2D0]  }
0xbe: {  	v2 =	vld [tilespmem:s21+$0x310]  }
0xbf: {  	v3 =	vld [tilespmem:s21+$0x2F0]  }
0xc0: {  	v4 =	vld [tilespmem:s21+$0x300]  }
0xc1: {  	v5 =	vld [tilespmem:s21+$0x2E0]  }
0xc2: {  	v1 =	vshll.u32 v1, $0x1  }
0xc3: {  	v1 =	vor.u32 v0, v1;
	v2 =	vshll.u32 v2, $0x1  }
0xc4: {  	[tilespmem:s21+$0x2D0] =	vst v1;
	v1 =	vshll.u32 v3, $0x1;
	v2 =	vor.u32 v0, v2  }
0xc5: {  	v1 =	vor.u32 v0, v1;
	v3 =	vshll.u32 v4, $0x1;
	[tilespmem:s21+$0x310] =	vst v2  }
0xc6: {  	v2 =	vshll.u32 v5, $0x1;
	[tilespmem:s21+$0x2F0] =	vst v1;
	v1 =	vor.u32 v0, v3  }
0xc7: {  	s9 =	sadd.s32 $0x2D0, s21;
	v2 =	vor.u32 v0, v2;
	[tilespmem:s21+$0x300] =	vst v1  }
0xc8: {  	[tilespmem:s21+$0x2E0] =	vst v2  }
0xc9: {  	[tilespmem:s24], [sflag:$0x5] =	stream.indirect.gather [hbm4b:s1+s16], $0x40, s9, s16, $0xb8;
	[tilespmem:$0x1A040] =	vst v63  }
0xca: {  	_ =	swait.ge [sflag:s25], $0x1400  }
0xcb: {  	s21 =	sshra.s32 s8, $0x2;
	[sflag:s25] =	ssyncset.done $0x0  }
0xcc: {  	s8 =	sadd.s32 $0x4E20, s21;
	[sflag:s25] =	ssyncadd.s32 $0xFFFFEC00  }
0xcd: {  	[spmem:s3] =	stream.indirect.scatter.add.f32 [tilespmem:s17], [sflag:$0x6], $0x40, s8, s16, $0xb8;
	[tilespmem:$0x1A040] =	vst v63  }
0xce: {  	_ =	swait.ge [sflag:s26], $0x1400  }
0xcf: {  	[sflag:s26] =	ssyncset.done $0x0  }
0xd0: {  	s8 =	sadd.s32 $0x4E70, s21;
	[sflag:s26] =	ssyncadd.s32 $0xFFFFEC00  }
0xd1: {  	[spmem:s3] =	stream.indirect.scatter.add.f32 [tilespmem:s18], [sflag:$0x7], $0x40, s8, s16, $0xb8;
	[tilespmem:$0x1A040] =	vst v63  }
0xd2: {  	_ =	swait.ge [sflag:s28], $0x1400  }
0xd3: {  	[sflag:s28] =	ssyncset.done $0x0  }
0xd4: {  	s8 =	sadd.s32 $0x4EC0, s21;
	[sflag:s28] =	ssyncadd.s32 $0xFFFFEC00  }
0xd5: {  	[spmem:s3] =	stream.indirect.scatter.add.f32 [tilespmem:s20], [sflag:$0x8], $0x40, s8, s16, $0xb8;
	[tilespmem:$0x1A040] =	vst v63  }
0xd6: {  	_ =	swait.ge [sflag:s29], $0x1400  }
0xd7: {  	[sflag:s29] =	ssyncset.done $0x0  }
0xd8: {  	s8 =	sadd.s32 $0x4F10, s21;
	[sflag:s29] =	ssyncadd.s32 $0xFFFFEC00  }
0xd9: {  	[spmem:s3] =	stream.indirect.scatter.add.f32 [tilespmem:s22], [sflag:$0x9], $0x40, s8, s16, $0xb8;
	[tilespmem:$0x1A040] =	vst v63  }
0xda: {  	_ =	swait.ge [sflag:s30], $0x1400  }
0xdb: {  	[sflag:s30] =	ssyncset.done $0x0  }
0xdc: {  	s8 =	sadd.s32 $0x4F60, s21;
	[sflag:s30] =	ssyncadd.s32 $0xFFFFEC00  }
0xdd: {  	[spmem:s3] =	stream.indirect.scatter.add.f32 [tilespmem:s24], [sflag:$0xA], $0x40, s8, s16, $0xb8;
	[tilespmem:$0x1A040] =	vst v63  }
0xde: {  	_ =	swait.ge [sflag:s31], $0x1400  }
0xdf: {  	[sflag:s31] =	ssyncset.done $0x0  }
0xe0: {  	[sflag:s31] =	ssyncadd.s32 $0xFFFFEC00  }
0xe1: {  	v1 =	vld [tilespmem:s21+$0x1C0]  }
0xe2: {  	v2 =	vld [tilespmem:s21+$0x1A0]  }
0xe3: {  	v3 =	vld [tilespmem:s21+$0x190]  }
0xe4: {  	v4 =	vld [tilespmem:s21+$0x1B0]  }
0xe5: {  	v5 =	vld [tilespmem:s21+$0x1D0]  }
0xe6: {  	v1 =	vshll.u32 v1, $0x1  }
0xe7: {  	v2 =	vshll.u32 v2, $0x1;
	v1 =	vor.u32 v0, v1  }
0xe8: {  	v3 =	vshll.u32 v3, $0x1;
	v2 =	vor.u32 v0, v2;
	[tilespmem:s21+$0x1C0] =	vst v1  }
0xe9: {  	v1 =	vor.u32 v0, v3;
	[tilespmem:s21+$0x1A0] =	vst v2;
	v2 =	vshll.u32 v4, $0x1  }
0xea: {  	[tilespmem:s21+$0x190] =	vst v1;
	v1 =	vor.u32 v0, v2;
	v2 =	vshll.u32 v5, $0x1  }
0xeb: {  	[tilespmem:s21+$0x1B0] =	vst v1;
	v1 =	vor.u32 v0, v2  }
0xec: {  	s8 =	sadd.s32 $0x190, s21;
	[tilespmem:s21+$0x1D0] =	vst v1  }
0xed: {  	[tilespmem:s17], [sflag:$0x1] =	stream.indirect.gather [hbm4b:s1+s16], $0x40, s8, s16, $0xb8;
	[tilespmem:$0x1A040] =	vst v63  }
0xee: {  	_ =	swait.ge [sflag:s0], $0x1400  }
0xef: {  	[sflag:s0] =	ssyncset.done $0x0  }
0xf0: {  	[sflag:s0] =	ssyncadd.s32 $0xFFFFEC00  }
0xf1: {  	v1 =	vld [tilespmem:s21+$0x200]  }
0xf2: {  	v2 =	vld [tilespmem:s21+$0x1E0]  }
0xf3: {  	v3 =	vld [tilespmem:s21+$0x210]  }
0xf4: {  	v4 =	vld [tilespmem:s21+$0x220]  }
0xf5: {  	v5 =	vld [tilespmem:s21+$0x1F0];
	_ =	sdelay $0x1  }
0xf6: {  	v2 =	vshll.u32 v2, $0x1  }
0xf7: {  	v1 =	vshll.u32 v1, $0x1;
	v2 =	vor.u32 v0, v2  }
0xf8: {  	v1 =	vor.u32 v0, v1;
	[tilespmem:s21+$0x1E0] =	vst v2;
	v2 =	vshll.u32 v3, $0x1;
	v3 =	vshll.u32 v4, $0x1  }
0xf9: {  	v4 =	vshll.u32 v5, $0x1;
	[tilespmem:s21+$0x200] =	vst v1;
	v1 =	vor.u32 v0, v2;
	v2 =	vor.u32 v0, v3  }
0xfa: {  	v3 =	vor.u32 v0, v4;
	[tilespmem:s21+$0x210] =	vst v1  }
0xfb: {  	[tilespmem:s21+$0x1F0] =	vst v3  }
0xfc: {  	s8 =	sadd.s32 $0x1E0, s21;
	[tilespmem:s21+$0x220] =	vst v2  }
0xfd: {  	[tilespmem:s18], [sflag:$0x2] =	stream.indirect.gather [hbm4b:s1+s16], $0x40, s8, s16, $0xb8;
	[tilespmem:$0x1A040] =	vst v63  }
0xfe: {  	_ =	swait.ge [sflag:s2], $0x1400  }
0xff: {  	[sflag:s2] =	ssyncset.done $0x0  }
0x100: {  	[sflag:s2] =	ssyncadd.s32 $0xFFFFEC00  }
0x101: {  	v1 =	vld [tilespmem:s21+$0x250]  }
0x102: {  	v2 =	vld [tilespmem:s21+$0x230]  }
0x103: {  	v3 =	vld [tilespmem:s21+$0x240]  }
0x104: {  	v4 =	vld [tilespmem:s21+$0x270]  }
0x105: {  	v5 =	vld [tilespmem:s21+$0x260];
	_ =	sdelay $0x2  }
0x106: {  	v1 =	vshll.u32 v1, $0x1;
	v3 =	vshll.u32 v3, $0x1  }
0x107: {  	v2 =	vshll.u32 v2, $0x1;
	v1 =	vor.u32 v0, v1;
	v4 =	vshll.u32 v4, $0x1  }
0x108: {  	v2 =	vor.u32 v0, v2;
	[tilespmem:s21+$0x250] =	vst v1;
	v1 =	vshll.u32 v5, $0x1;
	v4 =	vor.u32 v0, v4  }
0x109: {  	[tilespmem:s21+$0x230] =	vst v2;
	v2 =	vor.u32 v0, v3;
	v1 =	vor.u32 v0, v1  }
0x10a: {  	[tilespmem:s21+$0x240] =	vst v2  }
0x10b: {  	[tilespmem:s21+$0x260] =	vst v1  }
0x10c: {  	s8 =	sadd.s32 $0x230, s21;
	[tilespmem:s21+$0x270] =	vst v4  }
0x10d: {  	[tilespmem:s20], [sflag:$0x3] =	stream.indirect.gather [hbm4b:s1+s16], $0x40, s8, s16, $0xb8;
	[tilespmem:$0x1A040] =	vst v63  }
0x10e: {  	_ =	swait.ge [sflag:s14], $0x1400  }
0x10f: {  	[sflag:s14] =	ssyncset.done $0x0  }
.Ltmp0:
0x110: {  	[sflag:s14] =	ssyncadd.s32 $0xFFFFEC00;
	(pc) =	sbr.rel @p0 .LBB2_2-.Ltmp0, $4  }
0x111: {  	v1 =	vld [tilespmem:s21+$0x2A0]  }
0x112: {  	v3 =	vld [tilespmem:s21+$0x2C0]  }
0x113: {  	v4 =	vld [tilespmem:s21+$0x290]  }
0x114: {  	v2 =	vld [tilespmem:s21+$0x280]  }
0x115: {  	v5 =	vld [tilespmem:s21+$0x2B0]  }
0x116: {  	v1 =	vshll.u32 v1, $0x1  }
0x117: {  	v3 =	vshll.u32 v3, $0x1;
	v1 =	vor.u32 v0, v1  }
0x118: {  	v4 =	vshll.u32 v4, $0x1;
	v3 =	vor.u32 v0, v3;
	[tilespmem:s21+$0x2A0] =	vst v1  }
0x119: {  	v4 =	vor.u32 v0, v4;
	[tilespmem:s21+$0x2C0] =	vst v3;
	v2 =	vshll.u32 v2, $0x1  }
0x11a: {  	[tilespmem:s21+$0x290] =	vst v4;
	v3 =	vshll.u32 v5, $0x1;
	v2 =	vor.u32 v0, v2  }
0x11b: {  	v1 =	vor.u32 v0, v3;
	[tilespmem:s21+$0x280] =	vst v2  }
0x11c: {  	s5 =	sadd.s32 $0x280, s21;
	[tilespmem:s21+$0x2B0] =	vst v1  }
0x11d: {  	[tilespmem:s22], [sflag:$0x4] =	stream.indirect.gather [hbm4b:s1+s16], $0x40, s5, s16, $0xb8;
	[tilespmem:$0x1A040] =	vst v63  }
0x11e: {  	_ =	swait.ge [sflag:s19], $0x1400  }
0x11f: {  	[sflag:s19] =	ssyncset.done $0x0  }
0x120: {  	[sflag:s19] =	ssyncadd.s32 $0xFFFFEC00  }
0x121: {  	v1 =	vld [tilespmem:s21+$0x2D0]  }
0x122: {  	v2 =	vld [tilespmem:s21+$0x310]  }
0x123: {  	v3 =	vld [tilespmem:s21+$0x2F0]  }
0x124: {  	v63 =	vld [tilespmem:s21+$0x2E0]  }
0x125: {  	v62 =	vld [tilespmem:s21+$0x300]  }
0x126: {  	v1 =	vshll.u32 v1, $0x1  }
0x127: {  	v2 =	vshll.u32 v2, $0x1;
	v1 =	vor.u32 v0, v1  }
0x128: {  	v2 =	vor.u32 v0, v2;
	[tilespmem:s21+$0x2D0] =	vst v1;
	v1 =	vshll.u32 v3, $0x1  }
0x129: {  	[tilespmem:s21+$0x310] =	vst v2;
	v2 =	vshll.u32 v63, $0x1;
	v1 =	vor.u32 v0, v1  }
0x12a: {  	v3 =	vshll.u32 v62, $0x1;
	v2 =	vor.u32 v0, v2;
	[tilespmem:s21+$0x2F0] =	vst v1  }
0x12b: {  	v1 =	vor.u32 v0, v3;
	[tilespmem:s21+$0x2E0] =	vst v2  }
0x12c: {  	[tilespmem:s21+$0x300] =	vst v1;
	s21 =	sadd.s32 $0x2D0, s21  }
0x12d: {  	[tilespmem:s24], [sflag:$0x5] =	stream.indirect.gather [hbm4b:s1+s16], $0x40, s21, s16, $0xb8;
	[tilespmem:$0x1A040] =	vst v63  }
0x12e: {  	_ =	swait.ge [sflag:s25], $0x1400  }
0x12f: {  	[sflag:s25] =	ssyncset.done $0x0  }
0x130: {  	s8 =	simm.s32 $0x9AB0;
	[sflag:s25] =	ssyncadd.s32 $0xFFFFEC00  }
0x131: {  	[spmem:s3] =	stream.indirect.scatter.add.f32 [tilespmem:s17], [sflag:$0x6], $0x40, s8, s16, $0xb8;
	[tilespmem:$0x1A040] =	vst v63  }
0x132: {  	_ =	swait.ge [sflag:s26], $0x1400  }
0x133: {  	[sflag:s26] =	ssyncset.done $0x0  }
0x134: {  	s9 =	simm.s32 $0x9B00;
	[sflag:s26] =	ssyncadd.s32 $0xFFFFEC00  }
0x135: {  	[spmem:s3] =	stream.indirect.scatter.add.f32 [tilespmem:s18], [sflag:$0x7], $0x40, s9, s16, $0xb8;
	[tilespmem:$0x1A040] =	vst v63  }
0x136: {  	_ =	swait.ge [sflag:s28], $0x1400  }
0x137: {  	[sflag:s28] =	ssyncset.done $0x0  }
0x138: {  	s21 =	simm.s32 $0x9B50;
	[sflag:s28] =	ssyncadd.s32 $0xFFFFEC00  }
0x139: {  	[spmem:s3] =	stream.indirect.scatter.add.f32 [tilespmem:s20], [sflag:$0x8], $0x40, s21, s16, $0xb8;
	[tilespmem:$0x1A040] =	vst v63  }
0x13a: {  	_ =	swait.ge [sflag:s29], $0x1400  }
0x13b: {  	[sflag:s29] =	ssyncset.done $0x0  }
0x13c: {  	s8 =	simm.s32 $0x9BA0;
	[sflag:s29] =	ssyncadd.s32 $0xFFFFEC00  }
0x13d: {  	[spmem:s3] =	stream.indirect.scatter.add.f32 [tilespmem:s22], [sflag:$0x9], $0x40, s8, s16, $0xb8;
	[tilespmem:$0x1A040] =	vst v63  }
0x13e: {  	_ =	swait.ge [sflag:s30], $0x1400  }
0x13f: {  	[sflag:s30] =	ssyncset.done $0x0  }
0x140: {  	s9 =	simm.s32 $0x9BF0;
	[sflag:s30] =	ssyncadd.s32 $0xFFFFEC00  }
0x141: {  	[spmem:s3] =	stream.indirect.scatter.add.f32 [tilespmem:s24], [sflag:$0xA], $0x40, s9, s16, $0xb8;
	[tilespmem:$0x1A040] =	vst v63  }
0x142: {  	_ =	swait.ge [sflag:s31], $0x1400  }
0x143: {  	[sflag:s31] =	ssyncset.done $0x0  }
0x144: {  	[sflag:s31] =	ssyncadd.s32 $0xFFFFEC00  }
0x145: {  	_ =	swait.ge [sflag:s0], $0x1400  }
0x146: {  	[sflag:s0] =	ssyncset.done $0x0  }
0x147: {  	[sflag:s0] =	ssyncadd.s32 $0xFFFFEC00  }
0x148: {  	_ =	swait.ge [sflag:s2], $0x1400  }
0x149: {  	[sflag:s2] =	ssyncset.done $0x0  }
0x14a: {  	[sflag:s2] =	ssyncadd.s32 $0xFFFFEC00  }
0x14b: {  	_ =	swait.ge [sflag:s14], $0x1400  }
0x14c: {  	[sflag:s14] =	ssyncset.done $0x0  }
0x14d: {  	[sflag:s14] =	ssyncadd.s32 $0xFFFFEC00  }
0x14e: {  	_ =	swait.ge [sflag:s19], $0x1400  }
0x14f: {  	s23 =	sadd.s32 $0x1, s23;
	[sflag:s19] =	ssyncset.done $0x0  }
0x150: {  	p0 =	sne.s32 s23, s11;
	[sflag:s19] =	ssyncadd.s32 $0xFFFFEC00  }
.Ltmp1:
0x151: {  	s21 =	sor.u32 $0x1C0C, s6;
	[bflag:$0x0] =	sbarrier.arrive $0xFFFF;
	(pc) =	sbr.rel @p0 .LBB2_1-.Ltmp1, $4  }
0x152: {  	[hbm:s10], [sflag:s21] =	dma.local [spmem:s12], $0x1400  }
0x153: {  	_ =	swait.ge [sflag:s13], $0x1400  }
0x154: {  	[sflag:s13] =	ssyncset.done $0x0  }
0x155: {  	[sflag:s13] =	ssyncadd.s32 $0xFFFFEC00  }
0x156: {  	_ =	sfence.sel $0x180000  }
0x157: {  	[bflag:$0x0] =	sbarrier.arrive $0xFFFF  }
0x158: {  	_ =	strace $0x90000047  }
0x159: {  	s0 =	stileid.u32;
	[bflag:$0x2] =	sbarrier.arrive $0xFFFF  }
0x15a: {  	p0 =	sne.s32 s0, $0x0;
	s0 =	rddreg [dreg:$0x4]  }
0x15b: {  	s0 =	sadd.s32 @!p0 $0x100000, s0  }
0x15c: {  	[sflag:s0] =	ssyncadd.tile.s32 @!p0 $0x1;
	_ =	shalt  }
.Lfunc_end2:
_tile_overlayer_lowered:
.L_overlay_start_2:
0x15d: {  	(tag) =	ssettag $0x2  }
0x15e: {  	s0 =	rddreg [dreg:$0x0];
	s2 =	stileid.u32  }
0x15f: {  	s1 =	rddreg [dreg:$0x1];
	p0 =	sne.s32 s2, $0x0  }
0x160: {  	s3 =	rddreg [dreg:$0x2];
	[bflag:$0x3] =	sbarrier.arrive $0xFFFF;
	s2 =	simm.s32 @!p0 $0x1C0C  }
0x161: {  	[timem:s3], [sflag:s2] =	dma.local @!p0 [hbm:s0], s1  }
0x162: {  	s0 =	simm.s32 @!p0 $0xC  }
0x163: {  	_ =	swait.ge @!p0 [sflag:s0], s1  }
0x164: {  	s1 =	ssub.s32 @!p0 $0x0, s1;
	[sflag:s0] =	ssyncset.done @!p0 $0x0  }
0x165: {  	[sflag:s0] =	ssyncadd.s32 @!p0 s1  }
0x166: {  	[bflag:$0x3] =	sbarrier.arrive $0xFFFF  }
0x167: {  	_ =	shalt  }

</sc_bundles>
